<compile_context>
chip_gen: v7x
topology: tpu7x:2x2x1
jax: 0.10.2.dev20260603
libtpu: 0.0.44.dev20260713+nightly
codegen_flags: <defaults>
</compile_context>

<pallas_src>
import functools

import jax
import jax.numpy as jnp
from jax import lax
from jax.experimental import pallas as pl
from jax.experimental.pallas import tpu as pltpu
from jax.experimental.pallas import tpu_sc as plsc

_N_NODES = 1000000
_N_DIM = 64
_D = _N_DIM + 1
_BATCH = 16384
_TOTAL = 2 * _BATCH

_NC = 2
_NS = 16
_NW = _NC * _NS
_PER_W = _TOTAL // _NW
_FIRE = 16


def _gather_body(table_hbm, idx_hbm, out_hbm, idx_v, sem):
    wid = lax.axis_index("s") * _NC + lax.axis_index("c")
    pltpu.sync_copy(idx_hbm.at[wid], idx_v)
    base = wid * _PER_W

    ngroups = _PER_W // _FIRE
    ahead = 2

    def fire(g):
        vec = idx_v[pl.ds(g * _FIRE, _FIRE)]
        row = base + g * _FIRE
        for j in range(_FIRE):
            pltpu.async_copy(table_hbm.at[vec[j]], out_hbm.at[row + j], sem)

    def drain(g):
        row = base + g * _FIRE
        for j in range(_FIRE):
            pltpu.make_async_copy(
                table_hbm.at[0], out_hbm.at[row + j], sem
            ).wait()

    for g in range(ahead):
        fire(g)

    def body(g, carry):
        fire(g + ahead)
        drain(g)
        return carry

    lax.fori_loop(0, ngroups - ahead, body, 0)
    for g in range(ngroups - ahead, ngroups):
        drain(g)


@functools.cache
def _gather():
    return pl.kernel(
        _gather_body,
        mesh=plsc.VectorSubcoreMesh(core_axis_name="c", subcore_axis_name="s"),
        out_type=jax.ShapeDtypeStruct((_TOTAL, _D), jnp.float32),
        scratch_types=[
            pltpu.VMEM((_PER_W,), jnp.int32),
            pltpu.SemaphoreType.DMA,
        ],
    )


def _latent_lik(z0, zs, sigma_inv, log_sigma_sum):
    alpha = jnp.maximum(z0, 1.0 + 1e-7)
    am1 = (alpha - 1.0) * (alpha + 1.0)
    sq = jnp.sqrt(am1)
    acosh = jnp.log(alpha + sq)
    coef = acosh / sq
    v0 = coef * (z0 - alpha)
    vs = coef[:, None] * zs
    vs2 = vs * vs
    quad = 0.5 * jnp.sum(vs2 * sigma_inv, axis=1)
    inn = jnp.sum(vs2, axis=1) - v0 * v0
    w = jnp.sqrt(jnp.maximum(inn, 1e-12))
    w = jnp.maximum(w, 1e-6)
    const = _N_DIM / 2.0 * jnp.log(2.0 * jnp.pi) + 0.5 * log_sigma_sum
    tail = (_N_DIM - 1) * (
        jnp.log(1.0 - jnp.exp(-2.0 * w)) + w - jnp.log(2.0) - jnp.log(w)
    )
    return const + quad + tail


def _pair_body(us_ref, vs_ref, lab_ref, sig_ref, beta_ref, gamma_ref, out_ref):
    u = us_ref[...]
    v = vs_ref[...]
    lab = lab_ref[0, 0, :]
    sigma = sig_ref[0, :]
    beta = beta_ref[0]
    gamma = gamma_ref[0]

    p = u * v
    inner = jnp.sum(p, axis=1) - 2.0 * p[:, 0]
    alpha = jnp.maximum(-inner, 1.0 + 1e-7)
    dist = jnp.log(alpha + jnp.sqrt((alpha - 1.0) * (alpha + 1.0)))

    x = beta * dist - gamma
    x = jnp.where(lab == 1, x, -x)
    pair_loss = jnp.maximum(x, 0.0) + jnp.log1p(jnp.exp(-jnp.abs(x)))

    sigma_inv = (1.0 / sigma)[None, :]
    log_sigma_sum = jnp.sum(jnp.log(sigma))
    lik = _latent_lik(u[:, 0], u[:, 1:], sigma_inv, log_sigma_sum)
    lik = lik + _latent_lik(v[:, 0], v[:, 1:], sigma_inv, log_sigma_sum)
    out_ref[0, 0, :] = pair_loss + lik * (1.0 / (_N_NODES - 1))


def _pair_math(rows, labels, sigma, beta, gamma):
    nblk = 8
    blk = _BATCH // nblk
    out3 = pl.pallas_call(
        _pair_body,
        grid=(nblk,),
        in_specs=[
            pl.BlockSpec((blk, _D), lambda i: (i, 0)),
            pl.BlockSpec((blk, _D), lambda i: (i + nblk, 0)),
            pl.BlockSpec((1, 1, blk), lambda i: (i, 0, 0)),
            pl.BlockSpec((1, _N_DIM), lambda i: (0, 0)),
            pl.BlockSpec(memory_space=pltpu.SMEM),
            pl.BlockSpec(memory_space=pltpu.SMEM),
        ],
        out_specs=pl.BlockSpec((1, 1, blk), lambda i: (i, 0, 0)),
        out_shape=jax.ShapeDtypeStruct((nblk, 1, blk), jnp.float32),
    )(
        rows,
        rows,
        labels.reshape(nblk, 1, blk),
        sigma.reshape(1, _N_DIM),
        beta.reshape(1),
        gamma.reshape(1),
    )
    return out3.reshape(_BATCH)


def kernel(table, beta, gamma, sigma, pairs, labels):
    idx = jnp.concatenate([pairs[:, 0], pairs[:, 1]])
    idx2 = idx.reshape(_NW, _PER_W)
    rows = _gather()(table, idx2)
    return _pair_math(rows, labels, sigma, beta, gamma)

# --- scband reference (transcript-rebuilt; emitter-appended) ---
"""Pipeline reference for scband-lorentz-29643864277670 (READ-ONLY COPY).

The authoritative reference and input builder live on the scoring server;
editing this copy changes nothing except your own understanding.
"""

import jax, jax.numpy as jnp
import numpy as np

N_NODES = 1000000
N_DIM = 64
K = -1.0
BATCH = 16384


def lorentz_inner(u, v):
    return -u[..., 0] * v[..., 0] + jnp.sum(u[..., 1:] * v[..., 1:], axis=-1)


def dist_k(u, v, k):
    alpha = k * lorentz_inner(u, v)
    alpha = jnp.clip(alpha, 1.0 + 1e-7, None)
    return jnp.arccosh(alpha) / jnp.sqrt(-k)


def log_map_k(z, mu, k):
    alpha = k * lorentz_inner(mu, z)
    alpha = jnp.clip(alpha, 1.0 + 1e-7, None)
    coef = jnp.arccosh(alpha) / jnp.sqrt(alpha ** 2 - 1.0)
    return coef[..., None] * (z - alpha[..., None] * mu)


def tangent_norm_k(v, k):
    return jnp.sqrt(jnp.clip(lorentz_inner(v, v), 1e-12, None))


def latent_lik(x, sigma, k, n_dim):
    lik = jnp.full((x.shape[0],), n_dim / 2.0 * jnp.log(2.0 * jnp.pi)) + 0.5 * jnp.sum(jnp.log(sigma))
    mu = jnp.zeros_like(x).at[:, 0].set(1.0 / abs(k))
    v_ = log_map_k(x, mu, k)
    v = v_[:, 1:]
    sigma_inv = 1.0 / sigma
    lik = lik + 0.5 * jnp.sum(v * v * sigma_inv[None, :], axis=1)
    v_norm_k = jnp.sqrt(abs(k)) * tangent_norm_k(v_, k)
    v_norm_k = jnp.where(v_norm_k <= 1e-06, 1e-06, v_norm_k)
    lik = lik + (n_dim - 1) * (jnp.log(1.0 - jnp.exp(-2.0 * v_norm_k)) + v_norm_k - jnp.log(2.0) - jnp.log(v_norm_k))
    return lik


def setup_inputs(seed: int = 0) -> dict:
    key = jax.random.key(seed)
    k1, k2, k3 = jax.random.split(key, 3)
    pairs = jax.random.randint(k1, (BATCH, 2), 0, N_NODES)
    labels = jax.random.randint(k2, (BATCH,), 0, 2)
    w = jax.random.uniform(k3, (N_NODES, N_DIM + 1), minval=-0.01, maxval=0.01, dtype=jnp.float32)
    spatial = w[:, 1:]
    x0 = jnp.sqrt(1.0 / abs(K) + jnp.sum(spatial * spatial, axis=1, keepdims=True))
    table = jnp.concatenate([x0, spatial], axis=1)
    beta = jnp.asarray(1.0, dtype=jnp.float32)
    gamma = jnp.asarray(0.1, dtype=jnp.float32)
    sigma = jnp.ones((N_DIM,), dtype=jnp.float32)
    return {"table": table, "beta": beta, "gamma": gamma, "sigma": sigma, "pairs": pairs, "labels": labels}


def reference(table, beta, gamma, sigma, pairs, labels):
    us = jnp.take(table, pairs[:, 0], axis=0)
    vs = jnp.take(table, pairs[:, 1], axis=0)
    dist = dist_k(us, vs, K)
    loss = jnp.where(labels == 1,
                     jnp.logaddexp(0.0, beta * dist - gamma),
                     jnp.logaddexp(0.0, -beta * dist + gamma))
    lik_us = latent_lik(us, sigma, K, N_DIM)
    lik_vs = latent_lik(vs, sigma, K, N_DIM)
    loss = loss + (lik_us + lik_vs) / (N_NODES - 1)
    return loss

if __name__ == "__main__":
    import jax
    _d = setup_inputs()
    print(jax.jit(kernel)(*tuple(_d.values())))

</pallas_src>

<mosaic_0001>
#map = affine_map<(d0, d1) -> (0, 0)>
module attributes {stable_mosaic.version = 14 : i64} {
  func.func @_gather_body(%arg0: i32, %arg1: i32, %arg2: memref<1000000x65xf32, #tpu.memory_space<hbm>>, %arg3: memref<32x1024xi32, #tpu.memory_space<hbm>>, %arg4: memref<32768x65xf32, #tpu.memory_space<hbm>>, %arg5: memref<1024xi32, #tpu.memory_space<vmem>>, %arg6: memref<!tpu.dma_semaphore, #tpu.memory_space<semaphore_mem>>) attributes {dimension_semantics = [#tpu.dimension_semantics<core_parallel>, #tpu.dimension_semantics<subcore_parallel>], iteration_bounds = array<i64: 2, 16>, scalar_prefetch = 0 : i64, scratch_operands = 2 : i64, tpu.core_type = #tpu.core_type<sc_vector_subcore>, window_params = [{transform_indices = #map}, {transform_indices = #map}, {transform_indices = #map}]} {
    %mul3A = arith.constant 2 : i32
    %mul3A_0 = arith.muli %arg1, %mul3A : i32
    %add3A = arith.addi %mul3A_0, %arg0 : i32
    "tpu.region"() ({
      %run_scoped3A = tpu.sem_alloc : memref<!tpu.dma_semaphore, #tpu.memory_space<semaphore_mem>>
      %dma_start3A_625 = arith.constant 0 : i32
      %dma_start3A_626 = tpu.memref_slice %arg3[%add3A, %dma_start3A_625] : memref<32x1024xi32, #tpu.memory_space<hbm>> -> memref<1x1024xi32, #tpu.memory_space<hbm>>
      %dma_start3A_627 = tpu.memref_squeeze %dma_start3A_626 : memref<1x1024xi32, #tpu.memory_space<hbm>> -> memref<1024xi32, #tpu.memory_space<hbm>>
      %dma_start3A_628 = arith.constant 0 : i32
      %dma_start3A_629 = tpu.memref_slice %arg3[%add3A, %dma_start3A_628] : memref<32x1024xi32, #tpu.memory_space<hbm>> -> memref<1x1024xi32, #tpu.memory_space<hbm>>
      %dma_start3A_630 = tpu.memref_squeeze %dma_start3A_629 : memref<1x1024xi32, #tpu.memory_space<hbm>> -> memref<1024xi32, #tpu.memory_space<hbm>>
      tpu.enqueue_dma source(%dma_start3A_630 : memref<1024xi32, #tpu.memory_space<hbm>>) target(%arg5 : memref<1024xi32, #tpu.memory_space<vmem>>) target_semaphore(%run_scoped3A : memref<!tpu.dma_semaphore, #tpu.memory_space<semaphore_mem>>)
      %dma_wait3A_631 = arith.constant 0 : i32
      %dma_wait3A_632 = tpu.memref_slice %arg3[%add3A, %dma_wait3A_631] : memref<32x1024xi32, #tpu.memory_space<hbm>> -> memref<1x1024xi32, #tpu.memory_space<hbm>>
      %dma_wait3A_633 = tpu.memref_squeeze %dma_wait3A_632 : memref<1x1024xi32, #tpu.memory_space<hbm>> -> memref<1024xi32, #tpu.memory_space<hbm>>
      %dma_wait3A_634 = arith.constant 0 : i32
      %dma_wait3A_635 = tpu.memref_slice %arg3[%add3A, %dma_wait3A_634] : memref<32x1024xi32, #tpu.memory_space<hbm>> -> memref<1x1024xi32, #tpu.memory_space<hbm>>
      %dma_wait3A_636 = tpu.memref_squeeze %dma_wait3A_635 : memref<1x1024xi32, #tpu.memory_space<hbm>> -> memref<1024xi32, #tpu.memory_space<hbm>>
      tpu.wait_dma2 semaphore(%run_scoped3A : memref<!tpu.dma_semaphore, #tpu.memory_space<semaphore_mem>>) src(%dma_wait3A_636 : memref<1024xi32, #tpu.memory_space<hbm>>) dst(%arg5 : memref<1024xi32, #tpu.memory_space<vmem>>)
      tpu.yield
    }) : () -> ()
    %mul3A_1 = arith.constant 1024 : i32
    %mul3A_2 = arith.muli %add3A, %mul3A_1 : i32
    %get3A = arith.constant 0 : index
    %get3A_3 = tpu.vector_load %arg5[%get3A] {strides = array<i32>} : memref<1024xi32, #tpu.memory_space<vmem>>, vector<16xi32>,
    %get3A_4 = vector.shape_cast %get3A_3 : vector<16xi32> to vector<16xi32>
    %add3A_5 = arith.constant 0 : i32
    %add3A_6 = arith.addi %mul3A_2, %add3A_5 : i32
    %slice3A = vector.extract_strided_slice %get3A_4 {offsets = [0], sizes = [1], strides = [1]} : vector<16xi32> to vector<1xi32>
    %squeeze3A = vector.extract %slice3A[0] : i32 from vector<1xi32>
    %add3A_7 = arith.constant 0 : i32
    %add3A_8 = arith.addi %add3A_6, %add3A_7 : i32
    %dma_start3A = arith.constant 0 : i32
    %dma_start3A_9 = tpu.memref_slice %arg4[%add3A_8, %dma_start3A] : memref<32768x65xf32, #tpu.memory_space<hbm>> -> memref<1x65xf32, #tpu.memory_space<hbm>>
    %dma_start3A_10 = tpu.memref_squeeze %dma_start3A_9 : memref<1x65xf32, #tpu.memory_space<hbm>> -> memref<65xf32, #tpu.memory_space<hbm>>
    %dma_start3A_11 = arith.constant 0 : i32
    %dma_start3A_12 = tpu.memref_slice %arg2[%squeeze3A, %dma_start3A_11] : memref<1000000x65xf32, #tpu.memory_space<hbm>> -> memref<1x65xf32, #tpu.memory_space<hbm>>
    %dma_start3A_13 = tpu.memref_squeeze %dma_start3A_12 : memref<1x65xf32, #tpu.memory_space<hbm>> -> memref<65xf32, #tpu.memory_space<hbm>>
    tpu.enqueue_dma source(%dma_start3A_13 : memref<65xf32, #tpu.memory_space<hbm>>) target(%dma_start3A_10 : memref<65xf32, #tpu.memory_space<hbm>>) target_semaphore(%arg6 : memref<!tpu.dma_semaphore, #tpu.memory_space<semaphore_mem>>)
    %slice3A_14 = vector.extract_strided_slice %get3A_4 {offsets = [1], sizes = [1], strides = [1]} : vector<16xi32> to vector<1xi32>
    %squeeze3A_15 = vector.extract %slice3A_14[0] : i32 from vector<1xi32>
    %add3A_16 = arith.constant 1 : i32
    %add3A_17 = arith.addi %add3A_6, %add3A_16 : i32
    %dma_start3A_18 = arith.constant 0 : i32
    %dma_start3A_19 = tpu.memref_slice %arg4[%add3A_17, %dma_start3A_18] : memref<32768x65xf32, #tpu.memory_space<hbm>> -> memref<1x65xf32, #tpu.memory_space<hbm>>
    %dma_start3A_20 = tpu.memref_squeeze %dma_start3A_19 : memref<1x65xf32, #tpu.memory_space<hbm>> -> memref<65xf32, #tpu.memory_space<hbm>>
    %dma_start3A_21 = arith.constant 0 : i32
    %dma_start3A_22 = tpu.memref_slice %arg2[%squeeze3A_15, %dma_start3A_21] : memref<1000000x65xf32, #tpu.memory_space<hbm>> -> memref<1x65xf32, #tpu.memory_space<hbm>>
    %dma_start3A_23 = tpu.memref_squeeze %dma_start3A_22 : memref<1x65xf32, #tpu.memory_space<hbm>> -> memref<65xf32, #tpu.memory_space<hbm>>
    tpu.enqueue_dma source(%dma_start3A_23 : memref<65xf32, #tpu.memory_space<hbm>>) target(%dma_start3A_20 : memref<65xf32, #tpu.memory_space<hbm>>) target_semaphore(%arg6 : memref<!tpu.dma_semaphore, #tpu.memory_space<semaphore_mem>>)
    %slice3A_24 = vector.extract_strided_slice %get3A_4 {offsets = [2], sizes = [1], strides = [1]} : vector<16xi32> to vector<1xi32>
    %squeeze3A_25 = vector.extract %slice3A_24[0] : i32 from vector<1xi32>
    %add3A_26 = arith.constant 2 : i32
    %add3A_27 = arith.addi %add3A_6, %add3A_26 : i32
    %dma_start3A_28 = arith.constant 0 : i32
    %dma_start3A_29 = tpu.memref_slice %arg4[%add3A_27, %dma_start3A_28] : memref<32768x65xf32, #tpu.memory_space<hbm>> -> memref<1x65xf32, #tpu.memory_space<hbm>>
    %dma_start3A_30 = tpu.memref_squeeze %dma_start3A_29 : memref<1x65xf32, #tpu.memory_space<hbm>> -> memref<65xf32, #tpu.memory_space<hbm>>
    %dma_start3A_31 = arith.constant 0 : i32
    %dma_start3A_32 = tpu.memref_slice %arg2[%squeeze3A_25, %dma_start3A_31] : memref<1000000x65xf32, #tpu.memory_space<hbm>> -> memref<1x65xf32, #tpu.memory_space<hbm>>
    %dma_start3A_33 = tpu.memref_squeeze %dma_start3A_32 : memref<1x65xf32, #tpu.memory_space<hbm>> -> memref<65xf32, #tpu.memory_space<hbm>>
    tpu.enqueue_dma source(%dma_start3A_33 : memref<65xf32, #tpu.memory_space<hbm>>) target(%dma_start3A_30 : memref<65xf32, #tpu.memory_space<hbm>>) target_semaphore(%arg6 : memref<!tpu.dma_semaphore, #tpu.memory_space<semaphore_mem>>)
    %slice3A_34 = vector.extract_strided_slice %get3A_4 {offsets = [3], sizes = [1], strides = [1]} : vector<16xi32> to vector<1xi32>
    %squeeze3A_35 = vector.extract %slice3A_34[0] : i32 from vector<1xi32>
    %add3A_36 = arith.constant 3 : i32
    %add3A_37 = arith.addi %add3A_6, %add3A_36 : i32
    %dma_start3A_38 = arith.constant 0 : i32
    %dma_start3A_39 = tpu.memref_slice %arg4[%add3A_37, %dma_start3A_38] : memref<32768x65xf32, #tpu.memory_space<hbm>> -> memref<1x65xf32, #tpu.memory_space<hbm>>
    %dma_start3A_40 = tpu.memref_squeeze %dma_start3A_39 : memref<1x65xf32, #tpu.memory_space<hbm>> -> memref<65xf32, #tpu.memory_space<hbm>>
    %dma_start3A_41 = arith.constant 0 : i32
    %dma_start3A_42 = tpu.memref_slice %arg2[%squeeze3A_35, %dma_start3A_41] : memref<1000000x65xf32, #tpu.memory_space<hbm>> -> memref<1x65xf32, #tpu.memory_space<hbm>>
    %dma_start3A_43 = tpu.memref_squeeze %dma_start3A_42 : memref<1x65xf32, #tpu.memory_space<hbm>> -> memref<65xf32, #tpu.memory_space<hbm>>
    tpu.enqueue_dma source(%dma_start3A_43 : memref<65xf32, #tpu.memory_space<hbm>>) target(%dma_start3A_40 : memref<65xf32, #tpu.memory_space<hbm>>) target_semaphore(%arg6 : memref<!tpu.dma_semaphore, #tpu.memory_space<semaphore_mem>>)
    %slice3A_44 = vector.extract_strided_slice %get3A_4 {offsets = [4], sizes = [1], strides = [1]} : vector<16xi32> to vector<1xi32>
    %squeeze3A_45 = vector.extract %slice3A_44[0] : i32 from vector<1xi32>
    %add3A_46 = arith.constant 4 : i32
    %add3A_47 = arith.addi %add3A_6, %add3A_46 : i32
    %dma_start3A_48 = arith.constant 0 : i32
    %dma_start3A_49 = tpu.memref_slice %arg4[%add3A_47, %dma_start3A_48] : memref<32768x65xf32, #tpu.memory_space<hbm>> -> memref<1x65xf32, #tpu.memory_space<hbm>>
    %dma_start3A_50 = tpu.memref_squeeze %dma_start3A_49 : memref<1x65xf32, #tpu.memory_space<hbm>> -> memref<65xf32, #tpu.memory_space<hbm>>
    %dma_start3A_51 = arith.constant 0 : i32
    %dma_start3A_52 = tpu.memref_slice %arg2[%squeeze3A_45, %dma_start3A_51] : memref<1000000x65xf32, #tpu.memory_space<hbm>> -> memref<1x65xf32, #tpu.memory_space<hbm>>
    %dma_start3A_53 = tpu.memref_squeeze %dma_start3A_52 : memref<1x65xf32, #tpu.memory_space<hbm>> -> memref<65xf32, #tpu.memory_space<hbm>>
    tpu.enqueue_dma source(%dma_start3A_53 : memref<65xf32, #tpu.memory_space<hbm>>) target(%dma_start3A_50 : memref<65xf32, #tpu.memory_space<hbm>>) target_semaphore(%arg6 : memref<!tpu.dma_semaphore, #tpu.memory_space<semaphore_mem>>)
    %slice3A_54 = vector.extract_strided_slice %get3A_4 {offsets = [5], sizes = [1], strides = [1]} : vector<16xi32> to vector<1xi32>
    %squeeze3A_55 = vector.extract %slice3A_54[0] : i32 from vector<1xi32>
    %add3A_56 = arith.constant 5 : i32
    %add3A_57 = arith.addi %add3A_6, %add3A_56 : i32
    %dma_start3A_58 = arith.constant 0 : i32
    %dma_start3A_59 = tpu.memref_slice %arg4[%add3A_57, %dma_start3A_58] : memref<32768x65xf32, #tpu.memory_space<hbm>> -> memref<1x65xf32, #tpu.memory_space<hbm>>
    %dma_start3A_60 = tpu.memref_squeeze %dma_start3A_59 : memref<1x65xf32, #tpu.memory_space<hbm>> -> memref<65xf32, #tpu.memory_space<hbm>>
    %dma_start3A_61 = arith.constant 0 : i32
    %dma_start3A_62 = tpu.memref_slice %arg2[%squeeze3A_55, %dma_start3A_61] : memref<1000000x65xf32, #tpu.memory_space<hbm>> -> memref<1x65xf32, #tpu.memory_space<hbm>>
    %dma_start3A_63 = tpu.memref_squeeze %dma_start3A_62 : memref<1x65xf32, #tpu.memory_space<hbm>> -> memref<65xf32, #tpu.memory_space<hbm>>
    tpu.enqueue_dma source(%dma_start3A_63 : memref<65xf32, #tpu.memory_space<hbm>>) target(%dma_start3A_60 : memref<65xf32, #tpu.memory_space<hbm>>) target_semaphore(%arg6 : memref<!tpu.dma_semaphore, #tpu.memory_space<semaphore_mem>>)
    %slice3A_64 = vector.extract_strided_slice %get3A_4 {offsets = [6], sizes = [1], strides = [1]} : vector<16xi32> to vector<1xi32>
    %squeeze3A_65 = vector.extract %slice3A_64[0] : i32 from vector<1xi32>
    %add3A_66 = arith.constant 6 : i32
    %add3A_67 = arith.addi %add3A_6, %add3A_66 : i32
    %dma_start3A_68 = arith.constant 0 : i32
    %dma_start3A_69 = tpu.memref_slice %arg4[%add3A_67, %dma_start3A_68] : memref<32768x65xf32, #tpu.memory_space<hbm>> -> memref<1x65xf32, #tpu.memory_space<hbm>>
    %dma_start3A_70 = tpu.memref_squeeze %dma_start3A_69 : memref<1x65xf32, #tpu.memory_space<hbm>> -> memref<65xf32, #tpu.memory_space<hbm>>
    %dma_start3A_71 = arith.constant 0 : i32
    %dma_start3A_72 = tpu.memref_slice %arg2[%squeeze3A_65, %dma_start3A_71] : memref<1000000x65xf32, #tpu.memory_space<hbm>> -> memref<1x65xf32, #tpu.memory_space<hbm>>
    %dma_start3A_73 = tpu.memref_squeeze %dma_start3A_72 : memref<1x65xf32, #tpu.memory_space<hbm>> -> memref<65xf32, #tpu.memory_space<hbm>>
    tpu.enqueue_dma source(%dma_start3A_73 : memref<65xf32, #tpu.memory_space<hbm>>) target(%dma_start3A_70 : memref<65xf32, #tpu.memory_space<hbm>>) target_semaphore(%arg6 : memref<!tpu.dma_semaphore, #tpu.memory_space<semaphore_mem>>)
    %slice3A_74 = vector.extract_strided_slice %get3A_4 {offsets = [7], sizes = [1], strides = [1]} : vector<16xi32> to vector<1xi32>
    %squeeze3A_75 = vector.extract %slice3A_74[0] : i32 from vector<1xi32>
    %add3A_76 = arith.constant 7 : i32
    %add3A_77 = arith.addi %add3A_6, %add3A_76 : i32
    %dma_start3A_78 = arith.constant 0 : i32
    %dma_start3A_79 = tpu.memref_slice %arg4[%add3A_77, %dma_start3A_78] : memref<32768x65xf32, #tpu.memory_space<hbm>> -> memref<1x65xf32, #tpu.memory_space<hbm>>
    %dma_start3A_80 = tpu.memref_squeeze %dma_start3A_79 : memref<1x65xf32, #tpu.memory_space<hbm>> -> memref<65xf32, #tpu.memory_space<hbm>>
    %dma_start3A_81 = arith.constant 0 : i32
    %dma_start3A_82 = tpu.memref_slice %arg2[%squeeze3A_75, %dma_start3A_81] : memref<1000000x65xf32, #tpu.memory_space<hbm>> -> memref<1x65xf32, #tpu.memory_space<hbm>>
    %dma_start3A_83 = tpu.memref_squeeze %dma_start3A_82 : memref<1x65xf32, #tpu.memory_space<hbm>> -> memref<65xf32, #tpu.memory_space<hbm>>
    tpu.enqueue_dma source(%dma_start3A_83 : memref<65xf32, #tpu.memory_space<hbm>>) target(%dma_start3A_80 : memref<65xf32, #tpu.memory_space<hbm>>) target_semaphore(%arg6 : memref<!tpu.dma_semaphore, #tpu.memory_space<semaphore_mem>>)
    %slice3A_84 = vector.extract_strided_slice %get3A_4 {offsets = [8], sizes = [1], strides = [1]} : vector<16xi32> to vector<1xi32>
    %squeeze3A_85 = vector.extract %slice3A_84[0] : i32 from vector<1xi32>
    %add3A_86 = arith.constant 8 : i32
    %add3A_87 = arith.addi %add3A_6, %add3A_86 : i32
    %dma_start3A_88 = arith.constant 0 : i32
    %dma_start3A_89 = tpu.memref_slice %arg4[%add3A_87, %dma_start3A_88] : memref<32768x65xf32, #tpu.memory_space<hbm>> -> memref<1x65xf32, #tpu.memory_space<hbm>>
    %dma_start3A_90 = tpu.memref_squeeze %dma_start3A_89 : memref<1x65xf32, #tpu.memory_space<hbm>> -> memref<65xf32, #tpu.memory_space<hbm>>
    %dma_start3A_91 = arith.constant 0 : i32
    %dma_start3A_92 = tpu.memref_slice %arg2[%squeeze3A_85, %dma_start3A_91] : memref<1000000x65xf32, #tpu.memory_space<hbm>> -> memref<1x65xf32, #tpu.memory_space<hbm>>
    %dma_start3A_93 = tpu.memref_squeeze %dma_start3A_92 : memref<1x65xf32, #tpu.memory_space<hbm>> -> memref<65xf32, #tpu.memory_space<hbm>>
    tpu.enqueue_dma source(%dma_start3A_93 : memref<65xf32, #tpu.memory_space<hbm>>) target(%dma_start3A_90 : memref<65xf32, #tpu.memory_space<hbm>>) target_semaphore(%arg6 : memref<!tpu.dma_semaphore, #tpu.memory_space<semaphore_mem>>)
    %slice3A_94 = vector.extract_strided_slice %get3A_4 {offsets = [9], sizes = [1], strides = [1]} : vector<16xi32> to vector<1xi32>
    %squeeze3A_95 = vector.extract %slice3A_94[0] : i32 from vector<1xi32>
    %add3A_96 = arith.constant 9 : i32
    %add3A_97 = arith.addi %add3A_6, %add3A_96 : i32
    %dma_start3A_98 = arith.constant 0 : i32
    %dma_start3A_99 = tpu.memref_slice %arg4[%add3A_97, %dma_start3A_98] : memref<32768x65xf32, #tpu.memory_space<hbm>> -> memref<1x65xf32, #tpu.memory_space<hbm>>
    %dma_start3A_100 = tpu.memref_squeeze %dma_start3A_99 : memref<1x65xf32, #tpu.memory_space<hbm>> -> memref<65xf32, #tpu.memory_space<hbm>>
    %dma_start3A_101 = arith.constant 0 : i32
    %dma_start3A_102 = tpu.memref_slice %arg2[%squeeze3A_95, %dma_start3A_101] : memref<1000000x65xf32, #tpu.memory_space<hbm>> -> memref<1x65xf32, #tpu.memory_space<hbm>>
    %dma_start3A_103 = tpu.memref_squeeze %dma_start3A_102 : memref<1x65xf32, #tpu.memory_space<hbm>> -> memref<65xf32, #tpu.memory_space<hbm>>
    tpu.enqueue_dma source(%dma_start3A_103 : memref<65xf32, #tpu.memory_space<hbm>>) target(%dma_start3A_100 : memref<65xf32, #tpu.memory_space<hbm>>) target_semaphore(%arg6 : memref<!tpu.dma_semaphore, #tpu.memory_space<semaphore_mem>>)
    %slice3A_104 = vector.extract_strided_slice %get3A_4 {offsets = [10], sizes = [1], strides = [1]} : vector<16xi32> to vector<1xi32>
    %squeeze3A_105 = vector.extract %slice3A_104[0] : i32 from vector<1xi32>
    %add3A_106 = arith.constant 10 : i32
    %add3A_107 = arith.addi %add3A_6, %add3A_106 : i32
    %dma_start3A_108 = arith.constant 0 : i32
    %dma_start3A_109 = tpu.memref_slice %arg4[%add3A_107, %dma_start3A_108] : memref<32768x65xf32, #tpu.memory_space<hbm>> -> memref<1x65xf32, #tpu.memory_space<hbm>>
    %dma_start3A_110 = tpu.memref_squeeze %dma_start3A_109 : memref<1x65xf32, #tpu.memory_space<hbm>> -> memref<65xf32, #tpu.memory_space<hbm>>
    %dma_start3A_111 = arith.constant 0 : i32
    %dma_start3A_112 = tpu.memref_slice %arg2[%squeeze3A_105, %dma_start3A_111] : memref<1000000x65xf32, #tpu.memory_space<hbm>> -> memref<1x65xf32, #tpu.memory_space<hbm>>
    %dma_start3A_113 = tpu.memref_squeeze %dma_start3A_112 : memref<1x65xf32, #tpu.memory_space<hbm>> -> memref<65xf32, #tpu.memory_space<hbm>>
    tpu.enqueue_dma source(%dma_start3A_113 : memref<65xf32, #tpu.memory_space<hbm>>) target(%dma_start3A_110 : memref<65xf32, #tpu.memory_space<hbm>>) target_semaphore(%arg6 : memref<!tpu.dma_semaphore, #tpu.memory_space<semaphore_mem>>)
    %slice3A_114 = vector.extract_strided_slice %get3A_4 {offsets = [11], sizes = [1], strides = [1]} : vector<16xi32> to vector<1xi32>
    %squeeze3A_115 = vector.extract %slice3A_114[0] : i32 from vector<1xi32>
    %add3A_116 = arith.constant 11 : i32
    %add3A_117 = arith.addi %add3A_6, %add3A_116 : i32
    %dma_start3A_118 = arith.constant 0 : i32
    %dma_start3A_119 = tpu.memref_slice %arg4[%add3A_117, %dma_start3A_118] : memref<32768x65xf32, #tpu.memory_space<hbm>> -> memref<1x65xf32, #tpu.memory_space<hbm>>
    %dma_start3A_120 = tpu.memref_squeeze %dma_start3A_119 : memref<1x65xf32, #tpu.memory_space<hbm>> -> memref<65xf32, #tpu.memory_space<hbm>>
    %dma_start3A_121 = arith.constant 0 : i32
    %dma_start3A_122 = tpu.memref_slice %arg2[%squeeze3A_115, %dma_start3A_121] : memref<1000000x65xf32, #tpu.memory_space<hbm>> -> memref<1x65xf32, #tpu.memory_space<hbm>>
    %dma_start3A_123 = tpu.memref_squeeze %dma_start3A_122 : memref<1x65xf32, #tpu.memory_space<hbm>> -> memref<65xf32, #tpu.memory_space<hbm>>
    tpu.enqueue_dma source(%dma_start3A_123 : memref<65xf32, #tpu.memory_space<hbm>>) target(%dma_start3A_120 : memref<65xf32, #tpu.memory_space<hbm>>) target_semaphore(%arg6 : memref<!tpu.dma_semaphore, #tpu.memory_space<semaphore_mem>>)
    %slice3A_124 = vector.extract_strided_slice %get3A_4 {offsets = [12], sizes = [1], strides = [1]} : vector<16xi32> to vector<1xi32>
    %squeeze3A_125 = vector.extract %slice3A_124[0] : i32 from vector<1xi32>
    %add3A_126 = arith.constant 12 : i32
    %add3A_127 = arith.addi %add3A_6, %add3A_126 : i32
    %dma_start3A_128 = arith.constant 0 : i32
    %dma_start3A_129 = tpu.memref_slice %arg4[%add3A_127, %dma_start3A_128] : memref<32768x65xf32, #tpu.memory_space<hbm>> -> memref<1x65xf32, #tpu.memory_space<hbm>>
    %dma_start3A_130 = tpu.memref_squeeze %dma_start3A_129 : memref<1x65xf32, #tpu.memory_space<hbm>> -> memref<65xf32, #tpu.memory_space<hbm>>
    %dma_start3A_131 = arith.constant 0 : i32
    %dma_start3A_132 = tpu.memref_slice %arg2[%squeeze3A_125, %dma_start3A_131] : memref<1000000x65xf32, #tpu.memory_space<hbm>> -> memref<1x65xf32, #tpu.memory_space<hbm>>
    %dma_start3A_133 = tpu.memref_squeeze %dma_start3A_132 : memref<1x65xf32, #tpu.memory_space<hbm>> -> memref<65xf32, #tpu.memory_space<hbm>>
    tpu.enqueue_dma source(%dma_start3A_133 : memref<65xf32, #tpu.memory_space<hbm>>) target(%dma_start3A_130 : memref<65xf32, #tpu.memory_space<hbm>>) target_semaphore(%arg6 : memref<!tpu.dma_semaphore, #tpu.memory_space<semaphore_mem>>)
    %slice3A_134 = vector.extract_strided_slice %get3A_4 {offsets = [13], sizes = [1], strides = [1]} : vector<16xi32> to vector<1xi32>
    %squeeze3A_135 = vector.extract %slice3A_134[0] : i32 from vector<1xi32>
    %add3A_136 = arith.constant 13 : i32
    %add3A_137 = arith.addi %add3A_6, %add3A_136 : i32
    %dma_start3A_138 = arith.constant 0 : i32
    %dma_start3A_139 = tpu.memref_slice %arg4[%add3A_137, %dma_start3A_138] : memref<32768x65xf32, #tpu.memory_space<hbm>> -> memref<1x65xf32, #tpu.memory_space<hbm>>
    %dma_start3A_140 = tpu.memref_squeeze %dma_start3A_139 : memref<1x65xf32, #tpu.memory_space<hbm>> -> memref<65xf32, #tpu.memory_space<hbm>>
    %dma_start3A_141 = arith.constant 0 : i32
    %dma_start3A_142 = tpu.memref_slice %arg2[%squeeze3A_135, %dma_start3A_141] : memref<1000000x65xf32, #tpu.memory_space<hbm>> -> memref<1x65xf32, #tpu.memory_space<hbm>>
    %dma_start3A_143 = tpu.memref_squeeze %dma_start3A_142 : memref<1x65xf32, #tpu.memory_space<hbm>> -> memref<65xf32, #tpu.memory_space<hbm>>
    tpu.enqueue_dma source(%dma_start3A_143 : memref<65xf32, #tpu.memory_space<hbm>>) target(%dma_start3A_140 : memref<65xf32, #tpu.memory_space<hbm>>) target_semaphore(%arg6 : memref<!tpu.dma_semaphore, #tpu.memory_space<semaphore_mem>>)
    %slice3A_144 = vector.extract_strided_slice %get3A_4 {offsets = [14], sizes = [1], strides = [1]} : vector<16xi32> to vector<1xi32>
    %squeeze3A_145 = vector.extract %slice3A_144[0] : i32 from vector<1xi32>
    %add3A_146 = arith.constant 14 : i32
    %add3A_147 = arith.addi %add3A_6, %add3A_146 : i32
    %dma_start3A_148 = arith.constant 0 : i32
    %dma_start3A_149 = tpu.memref_slice %arg4[%add3A_147, %dma_start3A_148] : memref<32768x65xf32, #tpu.memory_space<hbm>> -> memref<1x65xf32, #tpu.memory_space<hbm>>
    %dma_start3A_150 = tpu.memref_squeeze %dma_start3A_149 : memref<1x65xf32, #tpu.memory_space<hbm>> -> memref<65xf32, #tpu.memory_space<hbm>>
    %dma_start3A_151 = arith.constant 0 : i32
    %dma_start3A_152 = tpu.memref_slice %arg2[%squeeze3A_145, %dma_start3A_151] : memref<1000000x65xf32, #tpu.memory_space<hbm>> -> memref<1x65xf32, #tpu.memory_space<hbm>>
    %dma_start3A_153 = tpu.memref_squeeze %dma_start3A_152 : memref<1x65xf32, #tpu.memory_space<hbm>> -> memref<65xf32, #tpu.memory_space<hbm>>
    tpu.enqueue_dma source(%dma_start3A_153 : memref<65xf32, #tpu.memory_space<hbm>>) target(%dma_start3A_150 : memref<65xf32, #tpu.memory_space<hbm>>) target_semaphore(%arg6 : memref<!tpu.dma_semaphore, #tpu.memory_space<semaphore_mem>>)
    %slice3A_154 = vector.extract_strided_slice %get3A_4 {offsets = [15], sizes = [1], strides = [1]} : vector<16xi32> to vector<1xi32>
    %squeeze3A_155 = vector.extract %slice3A_154[0] : i32 from vector<1xi32>
    %add3A_156 = arith.constant 15 : i32
    %add3A_157 = arith.addi %add3A_6, %add3A_156 : i32
    %dma_start3A_158 = arith.constant 0 : i32
    %dma_start3A_159 = tpu.memref_slice %arg4[%add3A_157, %dma_start3A_158] : memref<32768x65xf32, #tpu.memory_space<hbm>> -> memref<1x65xf32, #tpu.memory_space<hbm>>
    %dma_start3A_160 = tpu.memref_squeeze %dma_start3A_159 : memref<1x65xf32, #tpu.memory_space<hbm>> -> memref<65xf32, #tpu.memory_space<hbm>>
    %dma_start3A_161 = arith.constant 0 : i32
    %dma_start3A_162 = tpu.memref_slice %arg2[%squeeze3A_155, %dma_start3A_161] : memref<1000000x65xf32, #tpu.memory_space<hbm>> -> memref<1x65xf32, #tpu.memory_space<hbm>>
    %dma_start3A_163 = tpu.memref_squeeze %dma_start3A_162 : memref<1x65xf32, #tpu.memory_space<hbm>> -> memref<65xf32, #tpu.memory_space<hbm>>
    tpu.enqueue_dma source(%dma_start3A_163 : memref<65xf32, #tpu.memory_space<hbm>>) target(%dma_start3A_160 : memref<65xf32, #tpu.memory_space<hbm>>) target_semaphore(%arg6 : memref<!tpu.dma_semaphore, #tpu.memory_space<semaphore_mem>>)
    %get3A_164 = arith.constant 16 : index
    %get3A_165 = tpu.vector_load %arg5[%get3A_164] {strides = array<i32>} : memref<1024xi32, #tpu.memory_space<vmem>>, vector<16xi32>,
    %get3A_166 = vector.shape_cast %get3A_165 : vector<16xi32> to vector<16xi32>
    %add3A_167 = arith.constant 16 : i32
    %add3A_168 = arith.addi %mul3A_2, %add3A_167 : i32
    %slice3A_169 = vector.extract_strided_slice %get3A_166 {offsets = [0], sizes = [1], strides = [1]} : vector<16xi32> to vector<1xi32>
    %squeeze3A_170 = vector.extract %slice3A_169[0] : i32 from vector<1xi32>
    %add3A_171 = arith.constant 0 : i32
    %add3A_172 = arith.addi %add3A_168, %add3A_171 : i32
    %dma_start3A_173 = arith.constant 0 : i32
    %dma_start3A_174 = tpu.memref_slice %arg4[%add3A_172, %dma_start3A_173] : memref<32768x65xf32, #tpu.memory_space<hbm>> -> memref<1x65xf32, #tpu.memory_space<hbm>>
    %dma_start3A_175 = tpu.memref_squeeze %dma_start3A_174 : memref<1x65xf32, #tpu.memory_space<hbm>> -> memref<65xf32, #tpu.memory_space<hbm>>
    %dma_start3A_176 = arith.constant 0 : i32
    %dma_start3A_177 = tpu.memref_slice %arg2[%squeeze3A_170, %dma_start3A_176] : memref<1000000x65xf32, #tpu.memory_space<hbm>> -> memref<1x65xf32, #tpu.memory_space<hbm>>
    %dma_start3A_178 = tpu.memref_squeeze %dma_start3A_177 : memref<1x65xf32, #tpu.memory_space<hbm>> -> memref<65xf32, #tpu.memory_space<hbm>>
    tpu.enqueue_dma source(%dma_start3A_178 : memref<65xf32, #tpu.memory_space<hbm>>) target(%dma_start3A_175 : memref<65xf32, #tpu.memory_space<hbm>>) target_semaphore(%arg6 : memref<!tpu.dma_semaphore, #tpu.memory_space<semaphore_mem>>)
    %slice3A_179 = vector.extract_strided_slice %get3A_166 {offsets = [1], sizes = [1], strides = [1]} : vector<16xi32> to vector<1xi32>
    %squeeze3A_180 = vector.extract %slice3A_179[0] : i32 from vector<1xi32>
    %add3A_181 = arith.constant 1 : i32
    %add3A_182 = arith.addi %add3A_168, %add3A_181 : i32
    %dma_start3A_183 = arith.constant 0 : i32
    %dma_start3A_184 = tpu.memref_slice %arg4[%add3A_182, %dma_start3A_183] : memref<32768x65xf32, #tpu.memory_space<hbm>> -> memref<1x65xf32, #tpu.memory_space<hbm>>
    %dma_start3A_185 = tpu.memref_squeeze %dma_start3A_184 : memref<1x65xf32, #tpu.memory_space<hbm>> -> memref<65xf32, #tpu.memory_space<hbm>>
    %dma_start3A_186 = arith.constant 0 : i32
    %dma_start3A_187 = tpu.memref_slice %arg2[%squeeze3A_180, %dma_start3A_186] : memref<1000000x65xf32, #tpu.memory_space<hbm>> -> memref<1x65xf32, #tpu.memory_space<hbm>>
    %dma_start3A_188 = tpu.memref_squeeze %dma_start3A_187 : memref<1x65xf32, #tpu.memory_space<hbm>> -> memref<65xf32, #tpu.memory_space<hbm>>
    tpu.enqueue_dma source(%dma_start3A_188 : memref<65xf32, #tpu.memory_space<hbm>>) target(%dma_start3A_185 : memref<65xf32, #tpu.memory_space<hbm>>) target_semaphore(%arg6 : memref<!tpu.dma_semaphore, #tpu.memory_space<semaphore_mem>>)
    %slice3A_189 = vector.extract_strided_slice %get3A_166 {offsets = [2], sizes = [1], strides = [1]} : vector<16xi32> to vector<1xi32>
    %squeeze3A_190 = vector.extract %slice3A_189[0] : i32 from vector<1xi32>
    %add3A_191 = arith.constant 2 : i32
    %add3A_192 = arith.addi %add3A_168, %add3A_191 : i32
    %dma_start3A_193 = arith.constant 0 : i32
    %dma_start3A_194 = tpu.memref_slice %arg4[%add3A_192, %dma_start3A_193] : memref<32768x65xf32, #tpu.memory_space<hbm>> -> memref<1x65xf32, #tpu.memory_space<hbm>>
    %dma_start3A_195 = tpu.memref_squeeze %dma_start3A_194 : memref<1x65xf32, #tpu.memory_space<hbm>> -> memref<65xf32, #tpu.memory_space<hbm>>
    %dma_start3A_196 = arith.constant 0 : i32
    %dma_start3A_197 = tpu.memref_slice %arg2[%squeeze3A_190, %dma_start3A_196] : memref<1000000x65xf32, #tpu.memory_space<hbm>> -> memref<1x65xf32, #tpu.memory_space<hbm>>
    %dma_start3A_198 = tpu.memref_squeeze %dma_start3A_197 : memref<1x65xf32, #tpu.memory_space<hbm>> -> memref<65xf32, #tpu.memory_space<hbm>>
    tpu.enqueue_dma source(%dma_start3A_198 : memref<65xf32, #tpu.memory_space<hbm>>) target(%dma_start3A_195 : memref<65xf32, #tpu.memory_space<hbm>>) target_semaphore(%arg6 : memref<!tpu.dma_semaphore, #tpu.memory_space<semaphore_mem>>)
    %slice3A_199 = vector.extract_strided_slice %get3A_166 {offsets = [3], sizes = [1], strides = [1]} : vector<16xi32> to vector<1xi32>
    %squeeze3A_200 = vector.extract %slice3A_199[0] : i32 from vector<1xi32>
    %add3A_201 = arith.constant 3 : i32
    %add3A_202 = arith.addi %add3A_168, %add3A_201 : i32
    %dma_start3A_203 = arith.constant 0 : i32
    %dma_start3A_204 = tpu.memref_slice %arg4[%add3A_202, %dma_start3A_203] : memref<32768x65xf32, #tpu.memory_space<hbm>> -> memref<1x65xf32, #tpu.memory_space<hbm>>
    %dma_start3A_205 = tpu.memref_squeeze %dma_start3A_204 : memref<1x65xf32, #tpu.memory_space<hbm>> -> memref<65xf32, #tpu.memory_space<hbm>>
    %dma_start3A_206 = arith.constant 0 : i32
    %dma_start3A_207 = tpu.memref_slice %arg2[%squeeze3A_200, %dma_start3A_206] : memref<1000000x65xf32, #tpu.memory_space<hbm>> -> memref<1x65xf32, #tpu.memory_space<hbm>>
    %dma_start3A_208 = tpu.memref_squeeze %dma_start3A_207 : memref<1x65xf32, #tpu.memory_space<hbm>> -> memref<65xf32, #tpu.memory_space<hbm>>
    tpu.enqueue_dma source(%dma_start3A_208 : memref<65xf32, #tpu.memory_space<hbm>>) target(%dma_start3A_205 : memref<65xf32, #tpu.memory_space<hbm>>) target_semaphore(%arg6 : memref<!tpu.dma_semaphore, #tpu.memory_space<semaphore_mem>>)
    %slice3A_209 = vector.extract_strided_slice %get3A_166 {offsets = [4], sizes = [1], strides = [1]} : vector<16xi32> to vector<1xi32>
    %squeeze3A_210 = vector.extract %slice3A_209[0] : i32 from vector<1xi32>
    %add3A_211 = arith.constant 4 : i32
    %add3A_212 = arith.addi %add3A_168, %add3A_211 : i32
    %dma_start3A_213 = arith.constant 0 : i32
    %dma_start3A_214 = tpu.memref_slice %arg4[%add3A_212, %dma_start3A_213] : memref<32768x65xf32, #tpu.memory_space<hbm>> -> memref<1x65xf32, #tpu.memory_space<hbm>>
    %dma_start3A_215 = tpu.memref_squeeze %dma_start3A_214 : memref<1x65xf32, #tpu.memory_space<hbm>> -> memref<65xf32, #tpu.memory_space<hbm>>
    %dma_start3A_216 = arith.constant 0 : i32
    %dma_start3A_217 = tpu.memref_slice %arg2[%squeeze3A_210, %dma_start3A_216] : memref<1000000x65xf32, #tpu.memory_space<hbm>> -> memref<1x65xf32, #tpu.memory_space<hbm>>
    %dma_start3A_218 = tpu.memref_squeeze %dma_start3A_217 : memref<1x65xf32, #tpu.memory_space<hbm>> -> memref<65xf32, #tpu.memory_space<hbm>>
    tpu.enqueue_dma source(%dma_start3A_218 : memref<65xf32, #tpu.memory_space<hbm>>) target(%dma_start3A_215 : memref<65xf32, #tpu.memory_space<hbm>>) target_semaphore(%arg6 : memref<!tpu.dma_semaphore, #tpu.memory_space<semaphore_mem>>)
    %slice3A_219 = vector.extract_strided_slice %get3A_166 {offsets = [5], sizes = [1], strides = [1]} : vector<16xi32> to vector<1xi32>
    %squeeze3A_220 = vector.extract %slice3A_219[0] : i32 from vector<1xi32>
    %add3A_221 = arith.constant 5 : i32
    %add3A_222 = arith.addi %add3A_168, %add3A_221 : i32
    %dma_start3A_223 = arith.constant 0 : i32
    %dma_start3A_224 = tpu.memref_slice %arg4[%add3A_222, %dma_start3A_223] : memref<32768x65xf32, #tpu.memory_space<hbm>> -> memref<1x65xf32, #tpu.memory_space<hbm>>
    %dma_start3A_225 = tpu.memref_squeeze %dma_start3A_224 : memref<1x65xf32, #tpu.memory_space<hbm>> -> memref<65xf32, #tpu.memory_space<hbm>>
    %dma_start3A_226 = arith.constant 0 : i32
    %dma_start3A_227 = tpu.memref_slice %arg2[%squeeze3A_220, %dma_start3A_226] : memref<1000000x65xf32, #tpu.memory_space<hbm>> -> memref<1x65xf32, #tpu.memory_space<hbm>>
    %dma_start3A_228 = tpu.memref_squeeze %dma_start3A_227 : memref<1x65xf32, #tpu.memory_space<hbm>> -> memref<65xf32, #tpu.memory_space<hbm>>
    tpu.enqueue_dma source(%dma_start3A_228 : memref<65xf32, #tpu.memory_space<hbm>>) target(%dma_start3A_225 : memref<65xf32, #tpu.memory_space<hbm>>) target_semaphore(%arg6 : memref<!tpu.dma_semaphore, #tpu.memory_space<semaphore_mem>>)
    %slice3A_229 = vector.extract_strided_slice %get3A_166 {offsets = [6], sizes = [1], strides = [1]} : vector<16xi32> to vector<1xi32>
    %squeeze3A_230 = vector.extract %slice3A_229[0] : i32 from vector<1xi32>
    %add3A_231 = arith.constant 6 : i32
    %add3A_232 = arith.addi %add3A_168, %add3A_231 : i32
    %dma_start3A_233 = arith.constant 0 : i32
    %dma_start3A_234 = tpu.memref_slice %arg4[%add3A_232, %dma_start3A_233] : memref<32768x65xf32, #tpu.memory_space<hbm>> -> memref<1x65xf32, #tpu.memory_space<hbm>>
    %dma_start3A_235 = tpu.memref_squeeze %dma_start3A_234 : memref<1x65xf32, #tpu.memory_space<hbm>> -> memref<65xf32, #tpu.memory_space<hbm>>
    %dma_start3A_236 = arith.constant 0 : i32
    %dma_start3A_237 = tpu.memref_slice %arg2[%squeeze3A_230, %dma_start3A_236] : memref<1000000x65xf32, #tpu.memory_space<hbm>> -> memref<1x65xf32, #tpu.memory_space<hbm>>
    %dma_start3A_238 = tpu.memref_squeeze %dma_start3A_237 : memref<1x65xf32, #tpu.memory_space<hbm>> -> memref<65xf32, #tpu.memory_space<hbm>>
    tpu.enqueue_dma source(%dma_start3A_238 : memref<65xf32, #tpu.memory_space<hbm>>) target(%dma_start3A_235 : memref<65xf32, #tpu.memory_space<hbm>>) target_semaphore(%arg6 : memref<!tpu.dma_semaphore, #tpu.memory_space<semaphore_mem>>)
    %slice3A_239 = vector.extract_strided_slice %get3A_166 {offsets = [7], sizes = [1], strides = [1]} : vector<16xi32> to vector<1xi32>
    %squeeze3A_240 = vector.extract %slice3A_239[0] : i32 from vector<1xi32>
    %add3A_241 = arith.constant 7 : i32
    %add3A_242 = arith.addi %add3A_168, %add3A_241 : i32
    %dma_start3A_243 = arith.constant 0 : i32
    %dma_start3A_244 = tpu.memref_slice %arg4[%add3A_242, %dma_start3A_243] : memref<32768x65xf32, #tpu.memory_space<hbm>> -> memref<1x65xf32, #tpu.memory_space<hbm>>
    %dma_start3A_245 = tpu.memref_squeeze %dma_start3A_244 : memref<1x65xf32, #tpu.memory_space<hbm>> -> memref<65xf32, #tpu.memory_space<hbm>>
    %dma_start3A_246 = arith.constant 0 : i32
    %dma_start3A_247 = tpu.memref_slice %arg2[%squeeze3A_240, %dma_start3A_246] : memref<1000000x65xf32, #tpu.memory_space<hbm>> -> memref<1x65xf32, #tpu.memory_space<hbm>>
    %dma_start3A_248 = tpu.memref_squeeze %dma_start3A_247 : memref<1x65xf32, #tpu.memory_space<hbm>> -> memref<65xf32, #tpu.memory_space<hbm>>
    tpu.enqueue_dma source(%dma_start3A_248 : memref<65xf32, #tpu.memory_space<hbm>>) target(%dma_start3A_245 : memref<65xf32, #tpu.memory_space<hbm>>) target_semaphore(%arg6 : memref<!tpu.dma_semaphore, #tpu.memory_space<semaphore_mem>>)
    %slice3A_249 = vector.extract_strided_slice %get3A_166 {offsets = [8], sizes = [1], strides = [1]} : vector<16xi32> to vector<1xi32>
    %squeeze3A_250 = vector.extract %slice3A_249[0] : i32 from vector<1xi32>
    %add3A_251 = arith.constant 8 : i32
    %add3A_252 = arith.addi %add3A_168, %add3A_251 : i32
    %dma_start3A_253 = arith.constant 0 : i32
    %dma_start3A_254 = tpu.memref_slice %arg4[%add3A_252, %dma_start3A_253] : memref<32768x65xf32, #tpu.memory_space<hbm>> -> memref<1x65xf32, #tpu.memory_space<hbm>>
    %dma_start3A_255 = tpu.memref_squeeze %dma_start3A_254 : memref<1x65xf32, #tpu.memory_space<hbm>> -> memref<65xf32, #tpu.memory_space<hbm>>
    %dma_start3A_256 = arith.constant 0 : i32
    %dma_start3A_257 = tpu.memref_slice %arg2[%squeeze3A_250, %dma_start3A_256] : memref<1000000x65xf32, #tpu.memory_space<hbm>> -> memref<1x65xf32, #tpu.memory_space<hbm>>
    %dma_start3A_258 = tpu.memref_squeeze %dma_start3A_257 : memref<1x65xf32, #tpu.memory_space<hbm>> -> memref<65xf32, #tpu.memory_space<hbm>>
    tpu.enqueue_dma source(%dma_start3A_258 : memref<65xf32, #tpu.memory_space<hbm>>) target(%dma_start3A_255 : memref<65xf32, #tpu.memory_space<hbm>>) target_semaphore(%arg6 : memref<!tpu.dma_semaphore, #tpu.memory_space<semaphore_mem>>)
    %slice3A_259 = vector.extract_strided_slice %get3A_166 {offsets = [9], sizes = [1], strides = [1]} : vector<16xi32> to vector<1xi32>
    %squeeze3A_260 = vector.extract %slice3A_259[0] : i32 from vector<1xi32>
    %add3A_261 = arith.constant 9 : i32
    %add3A_262 = arith.addi %add3A_168, %add3A_261 : i32
    %dma_start3A_263 = arith.constant 0 : i32
    %dma_start3A_264 = tpu.memref_slice %arg4[%add3A_262, %dma_start3A_263] : memref<32768x65xf32, #tpu.memory_space<hbm>> -> memref<1x65xf32, #tpu.memory_space<hbm>>
    %dma_start3A_265 = tpu.memref_squeeze %dma_start3A_264 : memref<1x65xf32, #tpu.memory_space<hbm>> -> memref<65xf32, #tpu.memory_space<hbm>>
    %dma_start3A_266 = arith.constant 0 : i32
    %dma_start3A_267 = tpu.memref_slice %arg2[%squeeze3A_260, %dma_start3A_266] : memref<1000000x65xf32, #tpu.memory_space<hbm>> -> memref<1x65xf32, #tpu.memory_space<hbm>>
    %dma_start3A_268 = tpu.memref_squeeze %dma_start3A_267 : memref<1x65xf32, #tpu.memory_space<hbm>> -> memref<65xf32, #tpu.memory_space<hbm>>
    tpu.enqueue_dma source(%dma_start3A_268 : memref<65xf32, #tpu.memory_space<hbm>>) target(%dma_start3A_265 : memref<65xf32, #tpu.memory_space<hbm>>) target_semaphore(%arg6 : memref<!tpu.dma_semaphore, #tpu.memory_space<semaphore_mem>>)
    %slice3A_269 = vector.extract_strided_slice %get3A_166 {offsets = [10], sizes = [1], strides = [1]} : vector<16xi32> to vector<1xi32>
    %squeeze3A_270 = vector.extract %slice3A_269[0] : i32 from vector<1xi32>
    %add3A_271 = arith.constant 10 : i32
    %add3A_272 = arith.addi %add3A_168, %add3A_271 : i32
    %dma_start3A_273 = arith.constant 0 : i32
    %dma_start3A_274 = tpu.memref_slice %arg4[%add3A_272, %dma_start3A_273] : memref<32768x65xf32, #tpu.memory_space<hbm>> -> memref<1x65xf32, #tpu.memory_space<hbm>>
    %dma_start3A_275 = tpu.memref_squeeze %dma_start3A_274 : memref<1x65xf32, #tpu.memory_space<hbm>> -> memref<65xf32, #tpu.memory_space<hbm>>
    %dma_start3A_276 = arith.constant 0 : i32
    %dma_start3A_277 = tpu.memref_slice %arg2[%squeeze3A_270, %dma_start3A_276] : memref<1000000x65xf32, #tpu.memory_space<hbm>> -> memref<1x65xf32, #tpu.memory_space<hbm>>
    %dma_start3A_278 = tpu.memref_squeeze %dma_start3A_277 : memref<1x65xf32, #tpu.memory_space<hbm>> -> memref<65xf32, #tpu.memory_space<hbm>>
    tpu.enqueue_dma source(%dma_start3A_278 : memref<65xf32, #tpu.memory_space<hbm>>) target(%dma_start3A_275 : memref<65xf32, #tpu.memory_space<hbm>>) target_semaphore(%arg6 : memref<!tpu.dma_semaphore, #tpu.memory_space<semaphore_mem>>)
    %slice3A_279 = vector.extract_strided_slice %get3A_166 {offsets = [11], sizes = [1], strides = [1]} : vector<16xi32> to vector<1xi32>
    %squeeze3A_280 = vector.extract %slice3A_279[0] : i32 from vector<1xi32>
    %add3A_281 = arith.constant 11 : i32
    %add3A_282 = arith.addi %add3A_168, %add3A_281 : i32
    %dma_start3A_283 = arith.constant 0 : i32
    %dma_start3A_284 = tpu.memref_slice %arg4[%add3A_282, %dma_start3A_283] : memref<32768x65xf32, #tpu.memory_space<hbm>> -> memref<1x65xf32, #tpu.memory_space<hbm>>
    %dma_start3A_285 = tpu.memref_squeeze %dma_start3A_284 : memref<1x65xf32, #tpu.memory_space<hbm>> -> memref<65xf32, #tpu.memory_space<hbm>>
    %dma_start3A_286 = arith.constant 0 : i32
    %dma_start3A_287 = tpu.memref_slice %arg2[%squeeze3A_280, %dma_start3A_286] : memref<1000000x65xf32, #tpu.memory_space<hbm>> -> memref<1x65xf32, #tpu.memory_space<hbm>>
    %dma_start3A_288 = tpu.memref_squeeze %dma_start3A_287 : memref<1x65xf32, #tpu.memory_space<hbm>> -> memref<65xf32, #tpu.memory_space<hbm>>
    tpu.enqueue_dma source(%dma_start3A_288 : memref<65xf32, #tpu.memory_space<hbm>>) target(%dma_start3A_285 : memref<65xf32, #tpu.memory_space<hbm>>) target_semaphore(%arg6 : memref<!tpu.dma_semaphore, #tpu.memory_space<semaphore_mem>>)
    %slice3A_289 = vector.extract_strided_slice %get3A_166 {offsets = [12], sizes = [1], strides = [1]} : vector<16xi32> to vector<1xi32>
    %squeeze3A_290 = vector.extract %slice3A_289[0] : i32 from vector<1xi32>
    %add3A_291 = arith.constant 12 : i32
    %add3A_292 = arith.addi %add3A_168, %add3A_291 : i32
    %dma_start3A_293 = arith.constant 0 : i32
    %dma_start3A_294 = tpu.memref_slice %arg4[%add3A_292, %dma_start3A_293] : memref<32768x65xf32, #tpu.memory_space<hbm>> -> memref<1x65xf32, #tpu.memory_space<hbm>>
    %dma_start3A_295 = tpu.memref_squeeze %dma_start3A_294 : memref<1x65xf32, #tpu.memory_space<hbm>> -> memref<65xf32, #tpu.memory_space<hbm>>
    %dma_start3A_296 = arith.constant 0 : i32
    %dma_start3A_297 = tpu.memref_slice %arg2[%squeeze3A_290, %dma_start3A_296] : memref<1000000x65xf32, #tpu.memory_space<hbm>> -> memref<1x65xf32, #tpu.memory_space<hbm>>
    %dma_start3A_298 = tpu.memref_squeeze %dma_start3A_297 : memref<1x65xf32, #tpu.memory_space<hbm>> -> memref<65xf32, #tpu.memory_space<hbm>>
    tpu.enqueue_dma source(%dma_start3A_298 : memref<65xf32, #tpu.memory_space<hbm>>) target(%dma_start3A_295 : memref<65xf32, #tpu.memory_space<hbm>>) target_semaphore(%arg6 : memref<!tpu.dma_semaphore, #tpu.memory_space<semaphore_mem>>)
    %slice3A_299 = vector.extract_strided_slice %get3A_166 {offsets = [13], sizes = [1], strides = [1]} : vector<16xi32> to vector<1xi32>
    %squeeze3A_300 = vector.extract %slice3A_299[0] : i32 from vector<1xi32>
    %add3A_301 = arith.constant 13 : i32
    %add3A_302 = arith.addi %add3A_168, %add3A_301 : i32
    %dma_start3A_303 = arith.constant 0 : i32
    %dma_start3A_304 = tpu.memref_slice %arg4[%add3A_302, %dma_start3A_303] : memref<32768x65xf32, #tpu.memory_space<hbm>> -> memref<1x65xf32, #tpu.memory_space<hbm>>
    %dma_start3A_305 = tpu.memref_squeeze %dma_start3A_304 : memref<1x65xf32, #tpu.memory_space<hbm>> -> memref<65xf32, #tpu.memory_space<hbm>>
    %dma_start3A_306 = arith.constant 0 : i32
    %dma_start3A_307 = tpu.memref_slice %arg2[%squeeze3A_300, %dma_start3A_306] : memref<1000000x65xf32, #tpu.memory_space<hbm>> -> memref<1x65xf32, #tpu.memory_space<hbm>>
    %dma_start3A_308 = tpu.memref_squeeze %dma_start3A_307 : memref<1x65xf32, #tpu.memory_space<hbm>> -> memref<65xf32, #tpu.memory_space<hbm>>
    tpu.enqueue_dma source(%dma_start3A_308 : memref<65xf32, #tpu.memory_space<hbm>>) target(%dma_start3A_305 : memref<65xf32, #tpu.memory_space<hbm>>) target_semaphore(%arg6 : memref<!tpu.dma_semaphore, #tpu.memory_space<semaphore_mem>>)
    %slice3A_309 = vector.extract_strided_slice %get3A_166 {offsets = [14], sizes = [1], strides = [1]} : vector<16xi32> to vector<1xi32>
    %squeeze3A_310 = vector.extract %slice3A_309[0] : i32 from vector<1xi32>
    %add3A_311 = arith.constant 14 : i32
    %add3A_312 = arith.addi %add3A_168, %add3A_311 : i32
    %dma_start3A_313 = arith.constant 0 : i32
    %dma_start3A_314 = tpu.memref_slice %arg4[%add3A_312, %dma_start3A_313] : memref<32768x65xf32, #tpu.memory_space<hbm>> -> memref<1x65xf32, #tpu.memory_space<hbm>>
    %dma_start3A_315 = tpu.memref_squeeze %dma_start3A_314 : memref<1x65xf32, #tpu.memory_space<hbm>> -> memref<65xf32, #tpu.memory_space<hbm>>
    %dma_start3A_316 = arith.constant 0 : i32
    %dma_start3A_317 = tpu.memref_slice %arg2[%squeeze3A_310, %dma_start3A_316] : memref<1000000x65xf32, #tpu.memory_space<hbm>> -> memref<1x65xf32, #tpu.memory_space<hbm>>
    %dma_start3A_318 = tpu.memref_squeeze %dma_start3A_317 : memref<1x65xf32, #tpu.memory_space<hbm>> -> memref<65xf32, #tpu.memory_space<hbm>>
    tpu.enqueue_dma source(%dma_start3A_318 : memref<65xf32, #tpu.memory_space<hbm>>) target(%dma_start3A_315 : memref<65xf32, #tpu.memory_space<hbm>>) target_semaphore(%arg6 : memref<!tpu.dma_semaphore, #tpu.memory_space<semaphore_mem>>)
    %slice3A_319 = vector.extract_strided_slice %get3A_166 {offsets = [15], sizes = [1], strides = [1]} : vector<16xi32> to vector<1xi32>
    %squeeze3A_320 = vector.extract %slice3A_319[0] : i32 from vector<1xi32>
    %add3A_321 = arith.constant 15 : i32
    %add3A_322 = arith.addi %add3A_168, %add3A_321 : i32
    %dma_start3A_323 = arith.constant 0 : i32
    %dma_start3A_324 = tpu.memref_slice %arg4[%add3A_322, %dma_start3A_323] : memref<32768x65xf32, #tpu.memory_space<hbm>> -> memref<1x65xf32, #tpu.memory_space<hbm>>
    %dma_start3A_325 = tpu.memref_squeeze %dma_start3A_324 : memref<1x65xf32, #tpu.memory_space<hbm>> -> memref<65xf32, #tpu.memory_space<hbm>>
    %dma_start3A_326 = arith.constant 0 : i32
    %dma_start3A_327 = tpu.memref_slice %arg2[%squeeze3A_320, %dma_start3A_326] : memref<1000000x65xf32, #tpu.memory_space<hbm>> -> memref<1x65xf32, #tpu.memory_space<hbm>>
    %dma_start3A_328 = tpu.memref_squeeze %dma_start3A_327 : memref<1x65xf32, #tpu.memory_space<hbm>> -> memref<65xf32, #tpu.memory_space<hbm>>
    tpu.enqueue_dma source(%dma_start3A_328 : memref<65xf32, #tpu.memory_space<hbm>>) target(%dma_start3A_325 : memref<65xf32, #tpu.memory_space<hbm>>) target_semaphore(%arg6 : memref<!tpu.dma_semaphore, #tpu.memory_space<semaphore_mem>>)
    %scan3A = arith.constant 0 : i32
    %scan3A_329 = arith.constant 0 : i32
    %scan3A_330 = arith.constant 62 : i32
    %scan3A_331 = arith.addi %scan3A_329, %scan3A_330 : i32
    %scan3A_332 = arith.constant 1 : i32
    scf.for %scan3A_625 = %scan3A_329 to %scan3A_331 step %scan3A_332  : i32 {
      %add3A_626 = arith.constant 2 : i32
      %add3A_627 = arith.addi %scan3A_625, %add3A_626 : i32
      %mul3A_628 = arith.constant 16 : i32
      %mul3A_629 = arith.muli %add3A_627, %mul3A_628 : i32
      %get3A_630 = arith.index_cast %mul3A_629 : i32 to index
      %get3A_631 = tpu.vector_load %arg5[%get3A_630] {strides = array<i32>} : memref<1024xi32, #tpu.memory_space<vmem>>, vector<16xi32>,
      %get3A_632 = vector.shape_cast %get3A_631 : vector<16xi32> to vector<16xi32>
      %mul3A_633 = arith.constant 16 : i32
      %mul3A_634 = arith.muli %add3A_627, %mul3A_633 : i32
      %add3A_635 = arith.addi %mul3A_2, %mul3A_634 : i32
      %slice3A_636 = vector.extract_strided_slice %get3A_632 {offsets = [0], sizes = [1], strides = [1]} : vector<16xi32> to vector<1xi32>
      %squeeze3A_637 = vector.extract %slice3A_636[0] : i32 from vector<1xi32>
      %add3A_638 = arith.constant 0 : i32
      %add3A_639 = arith.addi %add3A_635, %add3A_638 : i32
      %dma_start3A_640 = arith.constant 0 : i32
      %dma_start3A_641 = tpu.memref_slice %arg4[%add3A_639, %dma_start3A_640] : memref<32768x65xf32, #tpu.memory_space<hbm>> -> memref<1x65xf32, #tpu.memory_space<hbm>>
      %dma_start3A_642 = tpu.memref_squeeze %dma_start3A_641 : memref<1x65xf32, #tpu.memory_space<hbm>> -> memref<65xf32, #tpu.memory_space<hbm>>
      %dma_start3A_643 = arith.constant 0 : i32
      %dma_start3A_644 = tpu.memref_slice %arg2[%squeeze3A_637, %dma_start3A_643] : memref<1000000x65xf32, #tpu.memory_space<hbm>> -> memref<1x65xf32, #tpu.memory_space<hbm>>
      %dma_start3A_645 = tpu.memref_squeeze %dma_start3A_644 : memref<1x65xf32, #tpu.memory_space<hbm>> -> memref<65xf32, #tpu.memory_space<hbm>>
      tpu.enqueue_dma source(%dma_start3A_645 : memref<65xf32, #tpu.memory_space<hbm>>) target(%dma_start3A_642 : memref<65xf32, #tpu.memory_space<hbm>>) target_semaphore(%arg6 : memref<!tpu.dma_semaphore, #tpu.memory_space<semaphore_mem>>)
      %slice3A_646 = vector.extract_strided_slice %get3A_632 {offsets = [1], sizes = [1], strides = [1]} : vector<16xi32> to vector<1xi32>
      %squeeze3A_647 = vector.extract %slice3A_646[0] : i32 from vector<1xi32>
      %add3A_648 = arith.constant 1 : i32
      %add3A_649 = arith.addi %add3A_635, %add3A_648 : i32
      %dma_start3A_650 = arith.constant 0 : i32
      %dma_start3A_651 = tpu.memref_slice %arg4[%add3A_649, %dma_start3A_650] : memref<32768x65xf32, #tpu.memory_space<hbm>> -> memref<1x65xf32, #tpu.memory_space<hbm>>
      %dma_start3A_652 = tpu.memref_squeeze %dma_start3A_651 : memref<1x65xf32, #tpu.memory_space<hbm>> -> memref<65xf32, #tpu.memory_space<hbm>>
      %dma_start3A_653 = arith.constant 0 : i32
      %dma_start3A_654 = tpu.memref_slice %arg2[%squeeze3A_647, %dma_start3A_653] : memref<1000000x65xf32, #tpu.memory_space<hbm>> -> memref<1x65xf32, #tpu.memory_space<hbm>>
      %dma_start3A_655 = tpu.memref_squeeze %dma_start3A_654 : memref<1x65xf32, #tpu.memory_space<hbm>> -> memref<65xf32, #tpu.memory_space<hbm>>
      tpu.enqueue_dma source(%dma_start3A_655 : memref<65xf32, #tpu.memory_space<hbm>>) target(%dma_start3A_652 : memref<65xf32, #tpu.memory_space<hbm>>) target_semaphore(%arg6 : memref<!tpu.dma_semaphore, #tpu.memory_space<semaphore_mem>>)
      %slice3A_656 = vector.extract_strided_slice %get3A_632 {offsets = [2], sizes = [1], strides = [1]} : vector<16xi32> to vector<1xi32>
      %squeeze3A_657 = vector.extract %slice3A_656[0] : i32 from vector<1xi32>
      %add3A_658 = arith.constant 2 : i32
      %add3A_659 = arith.addi %add3A_635, %add3A_658 : i32
      %dma_start3A_660 = arith.constant 0 : i32
      %dma_start3A_661 = tpu.memref_slice %arg4[%add3A_659, %dma_start3A_660] : memref<32768x65xf32, #tpu.memory_space<hbm>> -> memref<1x65xf32, #tpu.memory_space<hbm>>
      %dma_start3A_662 = tpu.memref_squeeze %dma_start3A_661 : memref<1x65xf32, #tpu.memory_space<hbm>> -> memref<65xf32, #tpu.memory_space<hbm>>
      %dma_start3A_663 = arith.constant 0 : i32
      %dma_start3A_664 = tpu.memref_slice %arg2[%squeeze3A_657, %dma_start3A_663] : memref<1000000x65xf32, #tpu.memory_space<hbm>> -> memref<1x65xf32, #tpu.memory_space<hbm>>
      %dma_start3A_665 = tpu.memref_squeeze %dma_start3A_664 : memref<1x65xf32, #tpu.memory_space<hbm>> -> memref<65xf32, #tpu.memory_space<hbm>>
      tpu.enqueue_dma source(%dma_start3A_665 : memref<65xf32, #tpu.memory_space<hbm>>) target(%dma_start3A_662 : memref<65xf32, #tpu.memory_space<hbm>>) target_semaphore(%arg6 : memref<!tpu.dma_semaphore, #tpu.memory_space<semaphore_mem>>)
      %slice3A_666 = vector.extract_strided_slice %get3A_632 {offsets = [3], sizes = [1], strides = [1]} : vector<16xi32> to vector<1xi32>
      %squeeze3A_667 = vector.extract %slice3A_666[0] : i32 from vector<1xi32>
      %add3A_668 = arith.constant 3 : i32
      %add3A_669 = arith.addi %add3A_635, %add3A_668 : i32
      %dma_start3A_670 = arith.constant 0 : i32
      %dma_start3A_671 = tpu.memref_slice %arg4[%add3A_669, %dma_start3A_670] : memref<32768x65xf32, #tpu.memory_space<hbm>> -> memref<1x65xf32, #tpu.memory_space<hbm>>
      %dma_start3A_672 = tpu.memref_squeeze %dma_start3A_671 : memref<1x65xf32, #tpu.memory_space<hbm>> -> memref<65xf32, #tpu.memory_space<hbm>>
      %dma_start3A_673 = arith.constant 0 : i32
      %dma_start3A_674 = tpu.memref_slice %arg2[%squeeze3A_667, %dma_start3A_673] : memref<1000000x65xf32, #tpu.memory_space<hbm>> -> memref<1x65xf32, #tpu.memory_space<hbm>>
      %dma_start3A_675 = tpu.memref_squeeze %dma_start3A_674 : memref<1x65xf32, #tpu.memory_space<hbm>> -> memref<65xf32, #tpu.memory_space<hbm>>
      tpu.enqueue_dma source(%dma_start3A_675 : memref<65xf32, #tpu.memory_space<hbm>>) target(%dma_start3A_672 : memref<65xf32, #tpu.memory_space<hbm>>) target_semaphore(%arg6 : memref<!tpu.dma_semaphore, #tpu.memory_space<semaphore_mem>>)
      %slice3A_676 = vector.extract_strided_slice %get3A_632 {offsets = [4], sizes = [1], strides = [1]} : vector<16xi32> to vector<1xi32>
      %squeeze3A_677 = vector.extract %slice3A_676[0] : i32 from vector<1xi32>
      %add3A_678 = arith.constant 4 : i32
      %add3A_679 = arith.addi %add3A_635, %add3A_678 : i32
      %dma_start3A_680 = arith.constant 0 : i32
      %dma_start3A_681 = tpu.memref_slice %arg4[%add3A_679, %dma_start3A_680] : memref<32768x65xf32, #tpu.memory_space<hbm>> -> memref<1x65xf32, #tpu.memory_space<hbm>>
      %dma_start3A_682 = tpu.memref_squeeze %dma_start3A_681 : memref<1x65xf32, #tpu.memory_space<hbm>> -> memref<65xf32, #tpu.memory_space<hbm>>
      %dma_start3A_683 = arith.constant 0 : i32
      %dma_start3A_684 = tpu.memref_slice %arg2[%squeeze3A_677, %dma_start3A_683] : memref<1000000x65xf32, #tpu.memory_space<hbm>> -> memref<1x65xf32, #tpu.memory_space<hbm>>
      %dma_start3A_685 = tpu.memref_squeeze %dma_start3A_684 : memref<1x65xf32, #tpu.memory_space<hbm>> -> memref<65xf32, #tpu.memory_space<hbm>>
      tpu.enqueue_dma source(%dma_start3A_685 : memref<65xf32, #tpu.memory_space<hbm>>) target(%dma_start3A_682 : memref<65xf32, #tpu.memory_space<hbm>>) target_semaphore(%arg6 : memref<!tpu.dma_semaphore, #tpu.memory_space<semaphore_mem>>)
      %slice3A_686 = vector.extract_strided_slice %get3A_632 {offsets = [5], sizes = [1], strides = [1]} : vector<16xi32> to vector<1xi32>
      %squeeze3A_687 = vector.extract %slice3A_686[0] : i32 from vector<1xi32>
      %add3A_688 = arith.constant 5 : i32
      %add3A_689 = arith.addi %add3A_635, %add3A_688 : i32
      %dma_start3A_690 = arith.constant 0 : i32
      %dma_start3A_691 = tpu.memref_slice %arg4[%add3A_689, %dma_start3A_690] : memref<32768x65xf32, #tpu.memory_space<hbm>> -> memref<1x65xf32, #tpu.memory_space<hbm>>
      %dma_start3A_692 = tpu.memref_squeeze %dma_start3A_691 : memref<1x65xf32, #tpu.memory_space<hbm>> -> memref<65xf32, #tpu.memory_space<hbm>>
      %dma_start3A_693 = arith.constant 0 : i32
      %dma_start3A_694 = tpu.memref_slice %arg2[%squeeze3A_687, %dma_start3A_693] : memref<1000000x65xf32, #tpu.memory_space<hbm>> -> memref<1x65xf32, #tpu.memory_space<hbm>>
      %dma_start3A_695 = tpu.memref_squeeze %dma_start3A_694 : memref<1x65xf32, #tpu.memory_space<hbm>> -> memref<65xf32, #tpu.memory_space<hbm>>
      tpu.enqueue_dma source(%dma_start3A_695 : memref<65xf32, #tpu.memory_space<hbm>>) target(%dma_start3A_692 : memref<65xf32, #tpu.memory_space<hbm>>) target_semaphore(%arg6 : memref<!tpu.dma_semaphore, #tpu.memory_space<semaphore_mem>>)
      %slice3A_696 = vector.extract_strided_slice %get3A_632 {offsets = [6], sizes = [1], strides = [1]} : vector<16xi32> to vector<1xi32>
      %squeeze3A_697 = vector.extract %slice3A_696[0] : i32 from vector<1xi32>
      %add3A_698 = arith.constant 6 : i32
      %add3A_699 = arith.addi %add3A_635, %add3A_698 : i32
      %dma_start3A_700 = arith.constant 0 : i32
      %dma_start3A_701 = tpu.memref_slice %arg4[%add3A_699, %dma_start3A_700] : memref<32768x65xf32, #tpu.memory_space<hbm>> -> memref<1x65xf32, #tpu.memory_space<hbm>>
      %dma_start3A_702 = tpu.memref_squeeze %dma_start3A_701 : memref<1x65xf32, #tpu.memory_space<hbm>> -> memref<65xf32, #tpu.memory_space<hbm>>
      %dma_start3A_703 = arith.constant 0 : i32
      %dma_start3A_704 = tpu.memref_slice %arg2[%squeeze3A_697, %dma_start3A_703] : memref<1000000x65xf32, #tpu.memory_space<hbm>> -> memref<1x65xf32, #tpu.memory_space<hbm>>
      %dma_start3A_705 = tpu.memref_squeeze %dma_start3A_704 : memref<1x65xf32, #tpu.memory_space<hbm>> -> memref<65xf32, #tpu.memory_space<hbm>>
      tpu.enqueue_dma source(%dma_start3A_705 : memref<65xf32, #tpu.memory_space<hbm>>) target(%dma_start3A_702 : memref<65xf32, #tpu.memory_space<hbm>>) target_semaphore(%arg6 : memref<!tpu.dma_semaphore, #tpu.memory_space<semaphore_mem>>)
      %slice3A_706 = vector.extract_strided_slice %get3A_632 {offsets = [7], sizes = [1], strides = [1]} : vector<16xi32> to vector<1xi32>
      %squeeze3A_707 = vector.extract %slice3A_706[0] : i32 from vector<1xi32>
      %add3A_708 = arith.constant 7 : i32
      %add3A_709 = arith.addi %add3A_635, %add3A_708 : i32
      %dma_start3A_710 = arith.constant 0 : i32
      %dma_start3A_711 = tpu.memref_slice %arg4[%add3A_709, %dma_start3A_710] : memref<32768x65xf32, #tpu.memory_space<hbm>> -> memref<1x65xf32, #tpu.memory_space<hbm>>
      %dma_start3A_712 = tpu.memref_squeeze %dma_start3A_711 : memref<1x65xf32, #tpu.memory_space<hbm>> -> memref<65xf32, #tpu.memory_space<hbm>>
      %dma_start3A_713 = arith.constant 0 : i32
      %dma_start3A_714 = tpu.memref_slice %arg2[%squeeze3A_707, %dma_start3A_713] : memref<1000000x65xf32, #tpu.memory_space<hbm>> -> memref<1x65xf32, #tpu.memory_space<hbm>>
      %dma_start3A_715 = tpu.memref_squeeze %dma_start3A_714 : memref<1x65xf32, #tpu.memory_space<hbm>> -> memref<65xf32, #tpu.memory_space<hbm>>
      tpu.enqueue_dma source(%dma_start3A_715 : memref<65xf32, #tpu.memory_space<hbm>>) target(%dma_start3A_712 : memref<65xf32, #tpu.memory_space<hbm>>) target_semaphore(%arg6 : memref<!tpu.dma_semaphore, #tpu.memory_space<semaphore_mem>>)
      %slice3A_716 = vector.extract_strided_slice %get3A_632 {offsets = [8], sizes = [1], strides = [1]} : vector<16xi32> to vector<1xi32>
      %squeeze3A_717 = vector.extract %slice3A_716[0] : i32 from vector<1xi32>
      %add3A_718 = arith.constant 8 : i32
      %add3A_719 = arith.addi %add3A_635, %add3A_718 : i32
      %dma_start3A_720 = arith.constant 0 : i32
      %dma_start3A_721 = tpu.memref_slice %arg4[%add3A_719, %dma_start3A_720] : memref<32768x65xf32, #tpu.memory_space<hbm>> -> memref<1x65xf32, #tpu.memory_space<hbm>>
      %dma_start3A_722 = tpu.memref_squeeze %dma_start3A_721 : memref<1x65xf32, #tpu.memory_space<hbm>> -> memref<65xf32, #tpu.memory_space<hbm>>
      %dma_start3A_723 = arith.constant 0 : i32
      %dma_start3A_724 = tpu.memref_slice %arg2[%squeeze3A_717, %dma_start3A_723] : memref<1000000x65xf32, #tpu.memory_space<hbm>> -> memref<1x65xf32, #tpu.memory_space<hbm>>
      %dma_start3A_725 = tpu.memref_squeeze %dma_start3A_724 : memref<1x65xf32, #tpu.memory_space<hbm>> -> memref<65xf32, #tpu.memory_space<hbm>>
      tpu.enqueue_dma source(%dma_start3A_725 : memref<65xf32, #tpu.memory_space<hbm>>) target(%dma_start3A_722 : memref<65xf32, #tpu.memory_space<hbm>>) target_semaphore(%arg6 : memref<!tpu.dma_semaphore, #tpu.memory_space<semaphore_mem>>)
      %slice3A_726 = vector.extract_strided_slice %get3A_632 {offsets = [9], sizes = [1], strides = [1]} : vector<16xi32> to vector<1xi32>
      %squeeze3A_727 = vector.extract %slice3A_726[0] : i32 from vector<1xi32>
      %add3A_728 = arith.constant 9 : i32
      %add3A_729 = arith.addi %add3A_635, %add3A_728 : i32
      %dma_start3A_730 = arith.constant 0 : i32
      %dma_start3A_731 = tpu.memref_slice %arg4[%add3A_729, %dma_start3A_730] : memref<32768x65xf32, #tpu.memory_space<hbm>> -> memref<1x65xf32, #tpu.memory_space<hbm>>
      %dma_start3A_732 = tpu.memref_squeeze %dma_start3A_731 : memref<1x65xf32, #tpu.memory_space<hbm>> -> memref<65xf32, #tpu.memory_space<hbm>>
      %dma_start3A_733 = arith.constant 0 : i32
      %dma_start3A_734 = tpu.memref_slice %arg2[%squeeze3A_727, %dma_start3A_733] : memref<1000000x65xf32, #tpu.memory_space<hbm>> -> memref<1x65xf32, #tpu.memory_space<hbm>>
      %dma_start3A_735 = tpu.memref_squeeze %dma_start3A_734 : memref<1x65xf32, #tpu.memory_space<hbm>> -> memref<65xf32, #tpu.memory_space<hbm>>
      tpu.enqueue_dma source(%dma_start3A_735 : memref<65xf32, #tpu.memory_space<hbm>>) target(%dma_start3A_732 : memref<65xf32, #tpu.memory_space<hbm>>) target_semaphore(%arg6 : memref<!tpu.dma_semaphore, #tpu.memory_space<semaphore_mem>>)
      %slice3A_736 = vector.extract_strided_slice %get3A_632 {offsets = [10], sizes = [1], strides = [1]} : vector<16xi32> to vector<1xi32>
      %squeeze3A_737 = vector.extract %slice3A_736[0] : i32 from vector<1xi32>
      %add3A_738 = arith.constant 10 : i32
      %add3A_739 = arith.addi %add3A_635, %add3A_738 : i32
      %dma_start3A_740 = arith.constant 0 : i32
      %dma_start3A_741 = tpu.memref_slice %arg4[%add3A_739, %dma_start3A_740] : memref<32768x65xf32, #tpu.memory_space<hbm>> -> memref<1x65xf32, #tpu.memory_space<hbm>>
      %dma_start3A_742 = tpu.memref_squeeze %dma_start3A_741 : memref<1x65xf32, #tpu.memory_space<hbm>> -> memref<65xf32, #tpu.memory_space<hbm>>
      %dma_start3A_743 = arith.constant 0 : i32
      %dma_start3A_744 = tpu.memref_slice %arg2[%squeeze3A_737, %dma_start3A_743] : memref<1000000x65xf32, #tpu.memory_space<hbm>> -> memref<1x65xf32, #tpu.memory_space<hbm>>
      %dma_start3A_745 = tpu.memref_squeeze %dma_start3A_744 : memref<1x65xf32, #tpu.memory_space<hbm>> -> memref<65xf32, #tpu.memory_space<hbm>>
      tpu.enqueue_dma source(%dma_start3A_745 : memref<65xf32, #tpu.memory_space<hbm>>) target(%dma_start3A_742 : memref<65xf32, #tpu.memory_space<hbm>>) target_semaphore(%arg6 : memref<!tpu.dma_semaphore, #tpu.memory_space<semaphore_mem>>)
      %slice3A_746 = vector.extract_strided_slice %get3A_632 {offsets = [11], sizes = [1], strides = [1]} : vector<16xi32> to vector<1xi32>
      %squeeze3A_747 = vector.extract %slice3A_746[0] : i32 from vector<1xi32>
      %add3A_748 = arith.constant 11 : i32
      %add3A_749 = arith.addi %add3A_635, %add3A_748 : i32
      %dma_start3A_750 = arith.constant 0 : i32
      %dma_start3A_751 = tpu.memref_slice %arg4[%add3A_749, %dma_start3A_750] : memref<32768x65xf32, #tpu.memory_space<hbm>> -> memref<1x65xf32, #tpu.memory_space<hbm>>
      %dma_start3A_752 = tpu.memref_squeeze %dma_start3A_751 : memref<1x65xf32, #tpu.memory_space<hbm>> -> memref<65xf32, #tpu.memory_space<hbm>>
      %dma_start3A_753 = arith.constant 0 : i32
      %dma_start3A_754 = tpu.memref_slice %arg2[%squeeze3A_747, %dma_start3A_753] : memref<1000000x65xf32, #tpu.memory_space<hbm>> -> memref<1x65xf32, #tpu.memory_space<hbm>>
      %dma_start3A_755 = tpu.memref_squeeze %dma_start3A_754 : memref<1x65xf32, #tpu.memory_space<hbm>> -> memref<65xf32, #tpu.memory_space<hbm>>
      tpu.enqueue_dma source(%dma_start3A_755 : memref<65xf32, #tpu.memory_space<hbm>>) target(%dma_start3A_752 : memref<65xf32, #tpu.memory_space<hbm>>) target_semaphore(%arg6 : memref<!tpu.dma_semaphore, #tpu.memory_space<semaphore_mem>>)
      %slice3A_756 = vector.extract_strided_slice %get3A_632 {offsets = [12], sizes = [1], strides = [1]} : vector<16xi32> to vector<1xi32>
      %squeeze3A_757 = vector.extract %slice3A_756[0] : i32 from vector<1xi32>
      %add3A_758 = arith.constant 12 : i32
      %add3A_759 = arith.addi %add3A_635, %add3A_758 : i32
      %dma_start3A_760 = arith.constant 0 : i32
      %dma_start3A_761 = tpu.memref_slice %arg4[%add3A_759, %dma_start3A_760] : memref<32768x65xf32, #tpu.memory_space<hbm>> -> memref<1x65xf32, #tpu.memory_space<hbm>>
      %dma_start3A_762 = tpu.memref_squeeze %dma_start3A_761 : memref<1x65xf32, #tpu.memory_space<hbm>> -> memref<65xf32, #tpu.memory_space<hbm>>
      %dma_start3A_763 = arith.constant 0 : i32
      %dma_start3A_764 = tpu.memref_slice %arg2[%squeeze3A_757, %dma_start3A_763] : memref<1000000x65xf32, #tpu.memory_space<hbm>> -> memref<1x65xf32, #tpu.memory_space<hbm>>
      %dma_start3A_765 = tpu.memref_squeeze %dma_start3A_764 : memref<1x65xf32, #tpu.memory_space<hbm>> -> memref<65xf32, #tpu.memory_space<hbm>>
      tpu.enqueue_dma source(%dma_start3A_765 : memref<65xf32, #tpu.memory_space<hbm>>) target(%dma_start3A_762 : memref<65xf32, #tpu.memory_space<hbm>>) target_semaphore(%arg6 : memref<!tpu.dma_semaphore, #tpu.memory_space<semaphore_mem>>)
      %slice3A_766 = vector.extract_strided_slice %get3A_632 {offsets = [13], sizes = [1], strides = [1]} : vector<16xi32> to vector<1xi32>
      %squeeze3A_767 = vector.extract %slice3A_766[0] : i32 from vector<1xi32>
      %add3A_768 = arith.constant 13 : i32
      %add3A_769 = arith.addi %add3A_635, %add3A_768 : i32
      %dma_start3A_770 = arith.constant 0 : i32
      %dma_start3A_771 = tpu.memref_slice %arg4[%add3A_769, %dma_start3A_770] : memref<32768x65xf32, #tpu.memory_space<hbm>> -> memref<1x65xf32, #tpu.memory_space<hbm>>
      %dma_start3A_772 = tpu.memref_squeeze %dma_start3A_771 : memref<1x65xf32, #tpu.memory_space<hbm>> -> memref<65xf32, #tpu.memory_space<hbm>>
      %dma_start3A_773 = arith.constant 0 : i32
      %dma_start3A_774 = tpu.memref_slice %arg2[%squeeze3A_767, %dma_start3A_773] : memref<1000000x65xf32, #tpu.memory_space<hbm>> -> memref<1x65xf32, #tpu.memory_space<hbm>>
      %dma_start3A_775 = tpu.memref_squeeze %dma_start3A_774 : memref<1x65xf32, #tpu.memory_space<hbm>> -> memref<65xf32, #tpu.memory_space<hbm>>
      tpu.enqueue_dma source(%dma_start3A_775 : memref<65xf32, #tpu.memory_space<hbm>>) target(%dma_start3A_772 : memref<65xf32, #tpu.memory_space<hbm>>) target_semaphore(%arg6 : memref<!tpu.dma_semaphore, #tpu.memory_space<semaphore_mem>>)
      %slice3A_776 = vector.extract_strided_slice %get3A_632 {offsets = [14], sizes = [1], strides = [1]} : vector<16xi32> to vector<1xi32>
      %squeeze3A_777 = vector.extract %slice3A_776[0] : i32 from vector<1xi32>
      %add3A_778 = arith.constant 14 : i32
      %add3A_779 = arith.addi %add3A_635, %add3A_778 : i32
      %dma_start3A_780 = arith.constant 0 : i32
      %dma_start3A_781 = tpu.memref_slice %arg4[%add3A_779, %dma_start3A_780] : memref<32768x65xf32, #tpu.memory_space<hbm>> -> memref<1x65xf32, #tpu.memory_space<hbm>>
      %dma_start3A_782 = tpu.memref_squeeze %dma_start3A_781 : memref<1x65xf32, #tpu.memory_space<hbm>> -> memref<65xf32, #tpu.memory_space<hbm>>
      %dma_start3A_783 = arith.constant 0 : i32
      %dma_start3A_784 = tpu.memref_slice %arg2[%squeeze3A_777, %dma_start3A_783] : memref<1000000x65xf32, #tpu.memory_space<hbm>> -> memref<1x65xf32, #tpu.memory_space<hbm>>
      %dma_start3A_785 = tpu.memref_squeeze %dma_start3A_784 : memref<1x65xf32, #tpu.memory_space<hbm>> -> memref<65xf32, #tpu.memory_space<hbm>>
      tpu.enqueue_dma source(%dma_start3A_785 : memref<65xf32, #tpu.memory_space<hbm>>) target(%dma_start3A_782 : memref<65xf32, #tpu.memory_space<hbm>>) target_semaphore(%arg6 : memref<!tpu.dma_semaphore, #tpu.memory_space<semaphore_mem>>)
      %slice3A_786 = vector.extract_strided_slice %get3A_632 {offsets = [15], sizes = [1], strides = [1]} : vector<16xi32> to vector<1xi32>
      %squeeze3A_787 = vector.extract %slice3A_786[0] : i32 from vector<1xi32>
      %add3A_788 = arith.constant 15 : i32
      %add3A_789 = arith.addi %add3A_635, %add3A_788 : i32
      %dma_start3A_790 = arith.constant 0 : i32
      %dma_start3A_791 = tpu.memref_slice %arg4[%add3A_789, %dma_start3A_790] : memref<32768x65xf32, #tpu.memory_space<hbm>> -> memref<1x65xf32, #tpu.memory_space<hbm>>
      %dma_start3A_792 = tpu.memref_squeeze %dma_start3A_791 : memref<1x65xf32, #tpu.memory_space<hbm>> -> memref<65xf32, #tpu.memory_space<hbm>>
      %dma_start3A_793 = arith.constant 0 : i32
      %dma_start3A_794 = tpu.memref_slice %arg2[%squeeze3A_787, %dma_start3A_793] : memref<1000000x65xf32, #tpu.memory_space<hbm>> -> memref<1x65xf32, #tpu.memory_space<hbm>>
      %dma_start3A_795 = tpu.memref_squeeze %dma_start3A_794 : memref<1x65xf32, #tpu.memory_space<hbm>> -> memref<65xf32, #tpu.memory_space<hbm>>
      tpu.enqueue_dma source(%dma_start3A_795 : memref<65xf32, #tpu.memory_space<hbm>>) target(%dma_start3A_792 : memref<65xf32, #tpu.memory_space<hbm>>) target_semaphore(%arg6 : memref<!tpu.dma_semaphore, #tpu.memory_space<semaphore_mem>>)
      %mul3A_796 = arith.constant 16 : i32
      %mul3A_797 = arith.muli %scan3A_625, %mul3A_796 : i32
      %add3A_798 = arith.addi %mul3A_2, %mul3A_797 : i32
      %add3A_799 = arith.constant 0 : i32
      %add3A_800 = arith.addi %add3A_798, %add3A_799 : i32
      %dma_wait3A_801 = arith.constant 0 : i32
      %dma_wait3A_802 = arith.constant 0 : i32
      %dma_wait3A_803 = tpu.memref_slice %arg4[%add3A_800, %dma_wait3A_802] : memref<32768x65xf32, #tpu.memory_space<hbm>> -> memref<1x65xf32, #tpu.memory_space<hbm>>
      %dma_wait3A_804 = tpu.memref_squeeze %dma_wait3A_803 : memref<1x65xf32, #tpu.memory_space<hbm>> -> memref<65xf32, #tpu.memory_space<hbm>>
      %dma_wait3A_805 = arith.constant 0 : i32
      %dma_wait3A_806 = tpu.memref_slice %arg2[%dma_wait3A_801, %dma_wait3A_805] : memref<1000000x65xf32, #tpu.memory_space<hbm>> -> memref<1x65xf32, #tpu.memory_space<hbm>>
      %dma_wait3A_807 = tpu.memref_squeeze %dma_wait3A_806 : memref<1x65xf32, #tpu.memory_space<hbm>> -> memref<65xf32, #tpu.memory_space<hbm>>
      tpu.wait_dma2 semaphore(%arg6 : memref<!tpu.dma_semaphore, #tpu.memory_space<semaphore_mem>>) src(%dma_wait3A_807 : memref<65xf32, #tpu.memory_space<hbm>>) dst(%dma_wait3A_804 : memref<65xf32, #tpu.memory_space<hbm>>)
      %add3A_808 = arith.constant 1 : i32
      %add3A_809 = arith.addi %add3A_798, %add3A_808 : i32
      %dma_wait3A_810 = arith.constant 0 : i32
      %dma_wait3A_811 = arith.constant 0 : i32
      %dma_wait3A_812 = tpu.memref_slice %arg4[%add3A_809, %dma_wait3A_811] : memref<32768x65xf32, #tpu.memory_space<hbm>> -> memref<1x65xf32, #tpu.memory_space<hbm>>
      %dma_wait3A_813 = tpu.memref_squeeze %dma_wait3A_812 : memref<1x65xf32, #tpu.memory_space<hbm>> -> memref<65xf32, #tpu.memory_space<hbm>>
      %dma_wait3A_814 = arith.constant 0 : i32
      %dma_wait3A_815 = tpu.memref_slice %arg2[%dma_wait3A_810, %dma_wait3A_814] : memref<1000000x65xf32, #tpu.memory_space<hbm>> -> memref<1x65xf32, #tpu.memory_space<hbm>>
      %dma_wait3A_816 = tpu.memref_squeeze %dma_wait3A_815 : memref<1x65xf32, #tpu.memory_space<hbm>> -> memref<65xf32, #tpu.memory_space<hbm>>
      tpu.wait_dma2 semaphore(%arg6 : memref<!tpu.dma_semaphore, #tpu.memory_space<semaphore_mem>>) src(%dma_wait3A_816 : memref<65xf32, #tpu.memory_space<hbm>>) dst(%dma_wait3A_813 : memref<65xf32, #tpu.memory_space<hbm>>)
      %add3A_817 = arith.constant 2 : i32
      %add3A_818 = arith.addi %add3A_798, %add3A_817 : i32
      %dma_wait3A_819 = arith.constant 0 : i32
      %dma_wait3A_820 = arith.constant 0 : i32
      %dma_wait3A_821 = tpu.memref_slice %arg4[%add3A_818, %dma_wait3A_820] : memref<32768x65xf32, #tpu.memory_space<hbm>> -> memref<1x65xf32, #tpu.memory_space<hbm>>
      %dma_wait3A_822 = tpu.memref_squeeze %dma_wait3A_821 : memref<1x65xf32, #tpu.memory_space<hbm>> -> memref<65xf32, #tpu.memory_space<hbm>>
      %dma_wait3A_823 = arith.constant 0 : i32
      %dma_wait3A_824 = tpu.memref_slice %arg2[%dma_wait3A_819, %dma_wait3A_823] : memref<1000000x65xf32, #tpu.memory_space<hbm>> -> memref<1x65xf32, #tpu.memory_space<hbm>>
      %dma_wait3A_825 = tpu.memref_squeeze %dma_wait3A_824 : memref<1x65xf32, #tpu.memory_space<hbm>> -> memref<65xf32, #tpu.memory_space<hbm>>
      tpu.wait_dma2 semaphore(%arg6 : memref<!tpu.dma_semaphore, #tpu.memory_space<semaphore_mem>>) src(%dma_wait3A_825 : memref<65xf32, #tpu.memory_space<hbm>>) dst(%dma_wait3A_822 : memref<65xf32, #tpu.memory_space<hbm>>)
      %add3A_826 = arith.constant 3 : i32
      %add3A_827 = arith.addi %add3A_798, %add3A_826 : i32
      %dma_wait3A_828 = arith.constant 0 : i32
      %dma_wait3A_829 = arith.constant 0 : i32
      %dma_wait3A_830 = tpu.memref_slice %arg4[%add3A_827, %dma_wait3A_829] : memref<32768x65xf32, #tpu.memory_space<hbm>> -> memref<1x65xf32, #tpu.memory_space<hbm>>
      %dma_wait3A_831 = tpu.memref_squeeze %dma_wait3A_830 : memref<1x65xf32, #tpu.memory_space<hbm>> -> memref<65xf32, #tpu.memory_space<hbm>>
      %dma_wait3A_832 = arith.constant 0 : i32
      %dma_wait3A_833 = tpu.memref_slice %arg2[%dma_wait3A_828, %dma_wait3A_832] : memref<1000000x65xf32, #tpu.memory_space<hbm>> -> memref<1x65xf32, #tpu.memory_space<hbm>>
      %dma_wait3A_834 = tpu.memref_squeeze %dma_wait3A_833 : memref<1x65xf32, #tpu.memory_space<hbm>> -> memref<65xf32, #tpu.memory_space<hbm>>
      tpu.wait_dma2 semaphore(%arg6 : memref<!tpu.dma_semaphore, #tpu.memory_space<semaphore_mem>>) src(%dma_wait3A_834 : memref<65xf32, #tpu.memory_space<hbm>>) dst(%dma_wait3A_831 : memref<65xf32, #tpu.memory_space<hbm>>)
      %add3A_835 = arith.constant 4 : i32
      %add3A_836 = arith.addi %add3A_798, %add3A_835 : i32
      %dma_wait3A_837 = arith.constant 0 : i32
      %dma_wait3A_838 = arith.constant 0 : i32
      %dma_wait3A_839 = tpu.memref_slice %arg4[%add3A_836, %dma_wait3A_838] : memref<32768x65xf32, #tpu.memory_space<hbm>> -> memref<1x65xf32, #tpu.memory_space<hbm>>
      %dma_wait3A_840 = tpu.memref_squeeze %dma_wait3A_839 : memref<1x65xf32, #tpu.memory_space<hbm>> -> memref<65xf32, #tpu.memory_space<hbm>>
      %dma_wait3A_841 = arith.constant 0 : i32
      %dma_wait3A_842 = tpu.memref_slice %arg2[%dma_wait3A_837, %dma_wait3A_841] : memref<1000000x65xf32, #tpu.memory_space<hbm>> -> memref<1x65xf32, #tpu.memory_space<hbm>>
      %dma_wait3A_843 = tpu.memref_squeeze %dma_wait3A_842 : memref<1x65xf32, #tpu.memory_space<hbm>> -> memref<65xf32, #tpu.memory_space<hbm>>
      tpu.wait_dma2 semaphore(%arg6 : memref<!tpu.dma_semaphore, #tpu.memory_space<semaphore_mem>>) src(%dma_wait3A_843 : memref<65xf32, #tpu.memory_space<hbm>>) dst(%dma_wait3A_840 : memref<65xf32, #tpu.memory_space<hbm>>)
      %add3A_844 = arith.constant 5 : i32
      %add3A_845 = arith.addi %add3A_798, %add3A_844 : i32
      %dma_wait3A_846 = arith.constant 0 : i32
      %dma_wait3A_847 = arith.constant 0 : i32
      %dma_wait3A_848 = tpu.memref_slice %arg4[%add3A_845, %dma_wait3A_847] : memref<32768x65xf32, #tpu.memory_space<hbm>> -> memref<1x65xf32, #tpu.memory_space<hbm>>
      %dma_wait3A_849 = tpu.memref_squeeze %dma_wait3A_848 : memref<1x65xf32, #tpu.memory_space<hbm>> -> memref<65xf32, #tpu.memory_space<hbm>>
      %dma_wait3A_850 = arith.constant 0 : i32
      %dma_wait3A_851 = tpu.memref_slice %arg2[%dma_wait3A_846, %dma_wait3A_850] : memref<1000000x65xf32, #tpu.memory_space<hbm>> -> memref<1x65xf32, #tpu.memory_space<hbm>>
      %dma_wait3A_852 = tpu.memref_squeeze %dma_wait3A_851 : memref<1x65xf32, #tpu.memory_space<hbm>> -> memref<65xf32, #tpu.memory_space<hbm>>
      tpu.wait_dma2 semaphore(%arg6 : memref<!tpu.dma_semaphore, #tpu.memory_space<semaphore_mem>>) src(%dma_wait3A_852 : memref<65xf32, #tpu.memory_space<hbm>>) dst(%dma_wait3A_849 : memref<65xf32, #tpu.memory_space<hbm>>)
      %add3A_853 = arith.constant 6 : i32
      %add3A_854 = arith.addi %add3A_798, %add3A_853 : i32
      %dma_wait3A_855 = arith.constant 0 : i32
      %dma_wait3A_856 = arith.constant 0 : i32
      %dma_wait3A_857 = tpu.memref_slice %arg4[%add3A_854, %dma_wait3A_856] : memref<32768x65xf32, #tpu.memory_space<hbm>> -> memref<1x65xf32, #tpu.memory_space<hbm>>
      %dma_wait3A_858 = tpu.memref_squeeze %dma_wait3A_857 : memref<1x65xf32, #tpu.memory_space<hbm>> -> memref<65xf32, #tpu.memory_space<hbm>>
      %dma_wait3A_859 = arith.constant 0 : i32
      %dma_wait3A_860 = tpu.memref_slice %arg2[%dma_wait3A_855, %dma_wait3A_859] : memref<1000000x65xf32, #tpu.memory_space<hbm>> -> memref<1x65xf32, #tpu.memory_space<hbm>>
      %dma_wait3A_861 = tpu.memref_squeeze %dma_wait3A_860 : memref<1x65xf32, #tpu.memory_space<hbm>> -> memref<65xf32, #tpu.memory_space<hbm>>
      tpu.wait_dma2 semaphore(%arg6 : memref<!tpu.dma_semaphore, #tpu.memory_space<semaphore_mem>>) src(%dma_wait3A_861 : memref<65xf32, #tpu.memory_space<hbm>>) dst(%dma_wait3A_858 : memref<65xf32, #tpu.memory_space<hbm>>)
      %add3A_862 = arith.constant 7 : i32
      %add3A_863 = arith.addi %add3A_798, %add3A_862 : i32
      %dma_wait3A_864 = arith.constant 0 : i32
      %dma_wait3A_865 = arith.constant 0 : i32
      %dma_wait3A_866 = tpu.memref_slice %arg4[%add3A_863, %dma_wait3A_865] : memref<32768x65xf32, #tpu.memory_space<hbm>> -> memref<1x65xf32, #tpu.memory_space<hbm>>
      %dma_wait3A_867 = tpu.memref_squeeze %dma_wait3A_866 : memref<1x65xf32, #tpu.memory_space<hbm>> -> memref<65xf32, #tpu.memory_space<hbm>>
      %dma_wait3A_868 = arith.constant 0 : i32
      %dma_wait3A_869 = tpu.memref_slice %arg2[%dma_wait3A_864, %dma_wait3A_868] : memref<1000000x65xf32, #tpu.memory_space<hbm>> -> memref<1x65xf32, #tpu.memory_space<hbm>>
      %dma_wait3A_870 = tpu.memref_squeeze %dma_wait3A_869 : memref<1x65xf32, #tpu.memory_space<hbm>> -> memref<65xf32, #tpu.memory_space<hbm>>
      tpu.wait_dma2 semaphore(%arg6 : memref<!tpu.dma_semaphore, #tpu.memory_space<semaphore_mem>>) src(%dma_wait3A_870 : memref<65xf32, #tpu.memory_space<hbm>>) dst(%dma_wait3A_867 : memref<65xf32, #tpu.memory_space<hbm>>)
      %add3A_871 = arith.constant 8 : i32
      %add3A_872 = arith.addi %add3A_798, %add3A_871 : i32
      %dma_wait3A_873 = arith.constant 0 : i32
      %dma_wait3A_874 = arith.constant 0 : i32
      %dma_wait3A_875 = tpu.memref_slice %arg4[%add3A_872, %dma_wait3A_874] : memref<32768x65xf32, #tpu.memory_space<hbm>> -> memref<1x65xf32, #tpu.memory_space<hbm>>
      %dma_wait3A_876 = tpu.memref_squeeze %dma_wait3A_875 : memref<1x65xf32, #tpu.memory_space<hbm>> -> memref<65xf32, #tpu.memory_space<hbm>>
      %dma_wait3A_877 = arith.constant 0 : i32
      %dma_wait3A_878 = tpu.memref_slice %arg2[%dma_wait3A_873, %dma_wait3A_877] : memref<1000000x65xf32, #tpu.memory_space<hbm>> -> memref<1x65xf32, #tpu.memory_space<hbm>>
      %dma_wait3A_879 = tpu.memref_squeeze %dma_wait3A_878 : memref<1x65xf32, #tpu.memory_space<hbm>> -> memref<65xf32, #tpu.memory_space<hbm>>
      tpu.wait_dma2 semaphore(%arg6 : memref<!tpu.dma_semaphore, #tpu.memory_space<semaphore_mem>>) src(%dma_wait3A_879 : memref<65xf32, #tpu.memory_space<hbm>>) dst(%dma_wait3A_876 : memref<65xf32, #tpu.memory_space<hbm>>)
      %add3A_880 = arith.constant 9 : i32
      %add3A_881 = arith.addi %add3A_798, %add3A_880 : i32
      %dma_wait3A_882 = arith.constant 0 : i32
      %dma_wait3A_883 = arith.constant 0 : i32
      %dma_wait3A_884 = tpu.memref_slice %arg4[%add3A_881, %dma_wait3A_883] : memref<32768x65xf32, #tpu.memory_space<hbm>> -> memref<1x65xf32, #tpu.memory_space<hbm>>
      %dma_wait3A_885 = tpu.memref_squeeze %dma_wait3A_884 : memref<1x65xf32, #tpu.memory_space<hbm>> -> memref<65xf32, #tpu.memory_space<hbm>>
      %dma_wait3A_886 = arith.constant 0 : i32
      %dma_wait3A_887 = tpu.memref_slice %arg2[%dma_wait3A_882, %dma_wait3A_886] : memref<1000000x65xf32, #tpu.memory_space<hbm>> -> memref<1x65xf32, #tpu.memory_space<hbm>>
      %dma_wait3A_888 = tpu.memref_squeeze %dma_wait3A_887 : memref<1x65xf32, #tpu.memory_space<hbm>> -> memref<65xf32, #tpu.memory_space<hbm>>
      tpu.wait_dma2 semaphore(%arg6 : memref<!tpu.dma_semaphore, #tpu.memory_space<semaphore_mem>>) src(%dma_wait3A_888 : memref<65xf32, #tpu.memory_space<hbm>>) dst(%dma_wait3A_885 : memref<65xf32, #tpu.memory_space<hbm>>)
      %add3A_889 = arith.constant 10 : i32
      %add3A_890 = arith.addi %add3A_798, %add3A_889 : i32
      %dma_wait3A_891 = arith.constant 0 : i32
      %dma_wait3A_892 = arith.constant 0 : i32
      %dma_wait3A_893 = tpu.memref_slice %arg4[%add3A_890, %dma_wait3A_892] : memref<32768x65xf32, #tpu.memory_space<hbm>> -> memref<1x65xf32, #tpu.memory_space<hbm>>
      %dma_wait3A_894 = tpu.memref_squeeze %dma_wait3A_893 : memref<1x65xf32, #tpu.memory_space<hbm>> -> memref<65xf32, #tpu.memory_space<hbm>>
      %dma_wait3A_895 = arith.constant 0 : i32
      %dma_wait3A_896 = tpu.memref_slice %arg2[%dma_wait3A_891, %dma_wait3A_895] : memref<1000000x65xf32, #tpu.memory_space<hbm>> -> memref<1x65xf32, #tpu.memory_space<hbm>>
      %dma_wait3A_897 = tpu.memref_squeeze %dma_wait3A_896 : memref<1x65xf32, #tpu.memory_space<hbm>> -> memref<65xf32, #tpu.memory_space<hbm>>
      tpu.wait_dma2 semaphore(%arg6 : memref<!tpu.dma_semaphore, #tpu.memory_space<semaphore_mem>>) src(%dma_wait3A_897 : memref<65xf32, #tpu.memory_space<hbm>>) dst(%dma_wait3A_894 : memref<65xf32, #tpu.memory_space<hbm>>)
      %add3A_898 = arith.constant 11 : i32
      %add3A_899 = arith.addi %add3A_798, %add3A_898 : i32
      %dma_wait3A_900 = arith.constant 0 : i32
      %dma_wait3A_901 = arith.constant 0 : i32
      %dma_wait3A_902 = tpu.memref_slice %arg4[%add3A_899, %dma_wait3A_901] : memref<32768x65xf32, #tpu.memory_space<hbm>> -> memref<1x65xf32, #tpu.memory_space<hbm>>
      %dma_wait3A_903 = tpu.memref_squeeze %dma_wait3A_902 : memref<1x65xf32, #tpu.memory_space<hbm>> -> memref<65xf32, #tpu.memory_space<hbm>>
      %dma_wait3A_904 = arith.constant 0 : i32
      %dma_wait3A_905 = tpu.memref_slice %arg2[%dma_wait3A_900, %dma_wait3A_904] : memref<1000000x65xf32, #tpu.memory_space<hbm>> -> memref<1x65xf32, #tpu.memory_space<hbm>>
      %dma_wait3A_906 = tpu.memref_squeeze %dma_wait3A_905 : memref<1x65xf32, #tpu.memory_space<hbm>> -> memref<65xf32, #tpu.memory_space<hbm>>
      tpu.wait_dma2 semaphore(%arg6 : memref<!tpu.dma_semaphore, #tpu.memory_space<semaphore_mem>>) src(%dma_wait3A_906 : memref<65xf32, #tpu.memory_space<hbm>>) dst(%dma_wait3A_903 : memref<65xf32, #tpu.memory_space<hbm>>)
      %add3A_907 = arith.constant 12 : i32
      %add3A_908 = arith.addi %add3A_798, %add3A_907 : i32
      %dma_wait3A_909 = arith.constant 0 : i32
      %dma_wait3A_910 = arith.constant 0 : i32
      %dma_wait3A_911 = tpu.memref_slice %arg4[%add3A_908, %dma_wait3A_910] : memref<32768x65xf32, #tpu.memory_space<hbm>> -> memref<1x65xf32, #tpu.memory_space<hbm>>
      %dma_wait3A_912 = tpu.memref_squeeze %dma_wait3A_911 : memref<1x65xf32, #tpu.memory_space<hbm>> -> memref<65xf32, #tpu.memory_space<hbm>>
      %dma_wait3A_913 = arith.constant 0 : i32
      %dma_wait3A_914 = tpu.memref_slice %arg2[%dma_wait3A_909, %dma_wait3A_913] : memref<1000000x65xf32, #tpu.memory_space<hbm>> -> memref<1x65xf32, #tpu.memory_space<hbm>>
      %dma_wait3A_915 = tpu.memref_squeeze %dma_wait3A_914 : memref<1x65xf32, #tpu.memory_space<hbm>> -> memref<65xf32, #tpu.memory_space<hbm>>
      tpu.wait_dma2 semaphore(%arg6 : memref<!tpu.dma_semaphore, #tpu.memory_space<semaphore_mem>>) src(%dma_wait3A_915 : memref<65xf32, #tpu.memory_space<hbm>>) dst(%dma_wait3A_912 : memref<65xf32, #tpu.memory_space<hbm>>)
      %add3A_916 = arith.constant 13 : i32
      %add3A_917 = arith.addi %add3A_798, %add3A_916 : i32
      %dma_wait3A_918 = arith.constant 0 : i32
      %dma_wait3A_919 = arith.constant 0 : i32
      %dma_wait3A_920 = tpu.memref_slice %arg4[%add3A_917, %dma_wait3A_919] : memref<32768x65xf32, #tpu.memory_space<hbm>> -> memref<1x65xf32, #tpu.memory_space<hbm>>
      %dma_wait3A_921 = tpu.memref_squeeze %dma_wait3A_920 : memref<1x65xf32, #tpu.memory_space<hbm>> -> memref<65xf32, #tpu.memory_space<hbm>>
      %dma_wait3A_922 = arith.constant 0 : i32
      %dma_wait3A_923 = tpu.memref_slice %arg2[%dma_wait3A_918, %dma_wait3A_922] : memref<1000000x65xf32, #tpu.memory_space<hbm>> -> memref<1x65xf32, #tpu.memory_space<hbm>>
      %dma_wait3A_924 = tpu.memref_squeeze %dma_wait3A_923 : memref<1x65xf32, #tpu.memory_space<hbm>> -> memref<65xf32, #tpu.memory_space<hbm>>
      tpu.wait_dma2 semaphore(%arg6 : memref<!tpu.dma_semaphore, #tpu.memory_space<semaphore_mem>>) src(%dma_wait3A_924 : memref<65xf32, #tpu.memory_space<hbm>>) dst(%dma_wait3A_921 : memref<65xf32, #tpu.memory_space<hbm>>)
      %add3A_925 = arith.constant 14 : i32
      %add3A_926 = arith.addi %add3A_798, %add3A_925 : i32
      %dma_wait3A_927 = arith.constant 0 : i32
      %dma_wait3A_928 = arith.constant 0 : i32
      %dma_wait3A_929 = tpu.memref_slice %arg4[%add3A_926, %dma_wait3A_928] : memref<32768x65xf32, #tpu.memory_space<hbm>> -> memref<1x65xf32, #tpu.memory_space<hbm>>
      %dma_wait3A_930 = tpu.memref_squeeze %dma_wait3A_929 : memref<1x65xf32, #tpu.memory_space<hbm>> -> memref<65xf32, #tpu.memory_space<hbm>>
      %dma_wait3A_931 = arith.constant 0 : i32
      %dma_wait3A_932 = tpu.memref_slice %arg2[%dma_wait3A_927, %dma_wait3A_931] : memref<1000000x65xf32, #tpu.memory_space<hbm>> -> memref<1x65xf32, #tpu.memory_space<hbm>>
      %dma_wait3A_933 = tpu.memref_squeeze %dma_wait3A_932 : memref<1x65xf32, #tpu.memory_space<hbm>> -> memref<65xf32, #tpu.memory_space<hbm>>
      tpu.wait_dma2 semaphore(%arg6 : memref<!tpu.dma_semaphore, #tpu.memory_space<semaphore_mem>>) src(%dma_wait3A_933 : memref<65xf32, #tpu.memory_space<hbm>>) dst(%dma_wait3A_930 : memref<65xf32, #tpu.memory_space<hbm>>)
      %add3A_934 = arith.constant 15 : i32
      %add3A_935 = arith.addi %add3A_798, %add3A_934 : i32
      %dma_wait3A_936 = arith.constant 0 : i32
      %dma_wait3A_937 = arith.constant 0 : i32
      %dma_wait3A_938 = tpu.memref_slice %arg4[%add3A_935, %dma_wait3A_937] : memref<32768x65xf32, #tpu.memory_space<hbm>> -> memref<1x65xf32, #tpu.memory_space<hbm>>
      %dma_wait3A_939 = tpu.memref_squeeze %dma_wait3A_938 : memref<1x65xf32, #tpu.memory_space<hbm>> -> memref<65xf32, #tpu.memory_space<hbm>>
      %dma_wait3A_940 = arith.constant 0 : i32
      %dma_wait3A_941 = tpu.memref_slice %arg2[%dma_wait3A_936, %dma_wait3A_940] : memref<1000000x65xf32, #tpu.memory_space<hbm>> -> memref<1x65xf32, #tpu.memory_space<hbm>>
      %dma_wait3A_942 = tpu.memref_squeeze %dma_wait3A_941 : memref<1x65xf32, #tpu.memory_space<hbm>> -> memref<65xf32, #tpu.memory_space<hbm>>
      tpu.wait_dma2 semaphore(%arg6 : memref<!tpu.dma_semaphore, #tpu.memory_space<semaphore_mem>>) src(%dma_wait3A_942 : memref<65xf32, #tpu.memory_space<hbm>>) dst(%dma_wait3A_939 : memref<65xf32, #tpu.memory_space<hbm>>)
    }
    %scan3A_333 = arith.constant 62 : i32
    %add3A_334 = arith.constant 992 : i32
    %add3A_335 = arith.addi %mul3A_2, %add3A_334 : i32
    %add3A_336 = arith.constant 0 : i32
    %add3A_337 = arith.addi %add3A_335, %add3A_336 : i32
    %dma_wait3A = arith.constant 0 : i32
    %dma_wait3A_338 = arith.constant 0 : i32
    %dma_wait3A_339 = tpu.memref_slice %arg4[%add3A_337, %dma_wait3A_338] : memref<32768x65xf32, #tpu.memory_space<hbm>> -> memref<1x65xf32, #tpu.memory_space<hbm>>
    %dma_wait3A_340 = tpu.memref_squeeze %dma_wait3A_339 : memref<1x65xf32, #tpu.memory_space<hbm>> -> memref<65xf32, #tpu.memory_space<hbm>>
    %dma_wait3A_341 = arith.constant 0 : i32
    %dma_wait3A_342 = tpu.memref_slice %arg2[%dma_wait3A, %dma_wait3A_341] : memref<1000000x65xf32, #tpu.memory_space<hbm>> -> memref<1x65xf32, #tpu.memory_space<hbm>>
    %dma_wait3A_343 = tpu.memref_squeeze %dma_wait3A_342 : memref<1x65xf32, #tpu.memory_space<hbm>> -> memref<65xf32, #tpu.memory_space<hbm>>
    tpu.wait_dma2 semaphore(%arg6 : memref<!tpu.dma_semaphore, #tpu.memory_space<semaphore_mem>>) src(%dma_wait3A_343 : memref<65xf32, #tpu.memory_space<hbm>>) dst(%dma_wait3A_340 : memref<65xf32, #tpu.memory_space<hbm>>)
    %add3A_344 = arith.constant 1 : i32
    %add3A_345 = arith.addi %add3A_335, %add3A_344 : i32
    %dma_wait3A_346 = arith.constant 0 : i32
    %dma_wait3A_347 = arith.constant 0 : i32
    %dma_wait3A_348 = tpu.memref_slice %arg4[%add3A_345, %dma_wait3A_347] : memref<32768x65xf32, #tpu.memory_space<hbm>> -> memref<1x65xf32, #tpu.memory_space<hbm>>
    %dma_wait3A_349 = tpu.memref_squeeze %dma_wait3A_348 : memref<1x65xf32, #tpu.memory_space<hbm>> -> memref<65xf32, #tpu.memory_space<hbm>>
    %dma_wait3A_350 = arith.constant 0 : i32
    %dma_wait3A_351 = tpu.memref_slice %arg2[%dma_wait3A_346, %dma_wait3A_350] : memref<1000000x65xf32, #tpu.memory_space<hbm>> -> memref<1x65xf32, #tpu.memory_space<hbm>>
    %dma_wait3A_352 = tpu.memref_squeeze %dma_wait3A_351 : memref<1x65xf32, #tpu.memory_space<hbm>> -> memref<65xf32, #tpu.memory_space<hbm>>
    tpu.wait_dma2 semaphore(%arg6 : memref<!tpu.dma_semaphore, #tpu.memory_space<semaphore_mem>>) src(%dma_wait3A_352 : memref<65xf32, #tpu.memory_space<hbm>>) dst(%dma_wait3A_349 : memref<65xf32, #tpu.memory_space<hbm>>)
    %add3A_353 = arith.constant 2 : i32
    %add3A_354 = arith.addi %add3A_335, %add3A_353 : i32
    %dma_wait3A_355 = arith.constant 0 : i32
    %dma_wait3A_356 = arith.constant 0 : i32
    %dma_wait3A_357 = tpu.memref_slice %arg4[%add3A_354, %dma_wait3A_356] : memref<32768x65xf32, #tpu.memory_space<hbm>> -> memref<1x65xf32, #tpu.memory_space<hbm>>
    %dma_wait3A_358 = tpu.memref_squeeze %dma_wait3A_357 : memref<1x65xf32, #tpu.memory_space<hbm>> -> memref<65xf32, #tpu.memory_space<hbm>>
    %dma_wait3A_359 = arith.constant 0 : i32
    %dma_wait3A_360 = tpu.memref_slice %arg2[%dma_wait3A_355, %dma_wait3A_359] : memref<1000000x65xf32, #tpu.memory_space<hbm>> -> memref<1x65xf32, #tpu.memory_space<hbm>>
    %dma_wait3A_361 = tpu.memref_squeeze %dma_wait3A_360 : memref<1x65xf32, #tpu.memory_space<hbm>> -> memref<65xf32, #tpu.memory_space<hbm>>
    tpu.wait_dma2 semaphore(%arg6 : memref<!tpu.dma_semaphore, #tpu.memory_space<semaphore_mem>>) src(%dma_wait3A_361 : memref<65xf32, #tpu.memory_space<hbm>>) dst(%dma_wait3A_358 : memref<65xf32, #tpu.memory_space<hbm>>)
    %add3A_362 = arith.constant 3 : i32
    %add3A_363 = arith.addi %add3A_335, %add3A_362 : i32
    %dma_wait3A_364 = arith.constant 0 : i32
    %dma_wait3A_365 = arith.constant 0 : i32
    %dma_wait3A_366 = tpu.memref_slice %arg4[%add3A_363, %dma_wait3A_365] : memref<32768x65xf32, #tpu.memory_space<hbm>> -> memref<1x65xf32, #tpu.memory_space<hbm>>
    %dma_wait3A_367 = tpu.memref_squeeze %dma_wait3A_366 : memref<1x65xf32, #tpu.memory_space<hbm>> -> memref<65xf32, #tpu.memory_space<hbm>>
    %dma_wait3A_368 = arith.constant 0 : i32
    %dma_wait3A_369 = tpu.memref_slice %arg2[%dma_wait3A_364, %dma_wait3A_368] : memref<1000000x65xf32, #tpu.memory_space<hbm>> -> memref<1x65xf32, #tpu.memory_space<hbm>>
    %dma_wait3A_370 = tpu.memref_squeeze %dma_wait3A_369 : memref<1x65xf32, #tpu.memory_space<hbm>> -> memref<65xf32, #tpu.memory_space<hbm>>
    tpu.wait_dma2 semaphore(%arg6 : memref<!tpu.dma_semaphore, #tpu.memory_space<semaphore_mem>>) src(%dma_wait3A_370 : memref<65xf32, #tpu.memory_space<hbm>>) dst(%dma_wait3A_367 : memref<65xf32, #tpu.memory_space<hbm>>)
    %add3A_371 = arith.constant 4 : i32
    %add3A_372 = arith.addi %add3A_335, %add3A_371 : i32
    %dma_wait3A_373 = arith.constant 0 : i32
    %dma_wait3A_374 = arith.constant 0 : i32
    %dma_wait3A_375 = tpu.memref_slice %arg4[%add3A_372, %dma_wait3A_374] : memref<32768x65xf32, #tpu.memory_space<hbm>> -> memref<1x65xf32, #tpu.memory_space<hbm>>
    %dma_wait3A_376 = tpu.memref_squeeze %dma_wait3A_375 : memref<1x65xf32, #tpu.memory_space<hbm>> -> memref<65xf32, #tpu.memory_space<hbm>>
    %dma_wait3A_377 = arith.constant 0 : i32
    %dma_wait3A_378 = tpu.memref_slice %arg2[%dma_wait3A_373, %dma_wait3A_377] : memref<1000000x65xf32, #tpu.memory_space<hbm>> -> memref<1x65xf32, #tpu.memory_space<hbm>>
    %dma_wait3A_379 = tpu.memref_squeeze %dma_wait3A_378 : memref<1x65xf32, #tpu.memory_space<hbm>> -> memref<65xf32, #tpu.memory_space<hbm>>
    tpu.wait_dma2 semaphore(%arg6 : memref<!tpu.dma_semaphore, #tpu.memory_space<semaphore_mem>>) src(%dma_wait3A_379 : memref<65xf32, #tpu.memory_space<hbm>>) dst(%dma_wait3A_376 : memref<65xf32, #tpu.memory_space<hbm>>)
    %add3A_380 = arith.constant 5 : i32
    %add3A_381 = arith.addi %add3A_335, %add3A_380 : i32
    %dma_wait3A_382 = arith.constant 0 : i32
    %dma_wait3A_383 = arith.constant 0 : i32
    %dma_wait3A_384 = tpu.memref_slice %arg4[%add3A_381, %dma_wait3A_383] : memref<32768x65xf32, #tpu.memory_space<hbm>> -> memref<1x65xf32, #tpu.memory_space<hbm>>
    %dma_wait3A_385 = tpu.memref_squeeze %dma_wait3A_384 : memref<1x65xf32, #tpu.memory_space<hbm>> -> memref<65xf32, #tpu.memory_space<hbm>>
    %dma_wait3A_386 = arith.constant 0 : i32
    %dma_wait3A_387 = tpu.memref_slice %arg2[%dma_wait3A_382, %dma_wait3A_386] : memref<1000000x65xf32, #tpu.memory_space<hbm>> -> memref<1x65xf32, #tpu.memory_space<hbm>>
    %dma_wait3A_388 = tpu.memref_squeeze %dma_wait3A_387 : memref<1x65xf32, #tpu.memory_space<hbm>> -> memref<65xf32, #tpu.memory_space<hbm>>
    tpu.wait_dma2 semaphore(%arg6 : memref<!tpu.dma_semaphore, #tpu.memory_space<semaphore_mem>>) src(%dma_wait3A_388 : memref<65xf32, #tpu.memory_space<hbm>>) dst(%dma_wait3A_385 : memref<65xf32, #tpu.memory_space<hbm>>)
    %add3A_389 = arith.constant 6 : i32
    %add3A_390 = arith.addi %add3A_335, %add3A_389 : i32
    %dma_wait3A_391 = arith.constant 0 : i32
    %dma_wait3A_392 = arith.constant 0 : i32
    %dma_wait3A_393 = tpu.memref_slice %arg4[%add3A_390, %dma_wait3A_392] : memref<32768x65xf32, #tpu.memory_space<hbm>> -> memref<1x65xf32, #tpu.memory_space<hbm>>
    %dma_wait3A_394 = tpu.memref_squeeze %dma_wait3A_393 : memref<1x65xf32, #tpu.memory_space<hbm>> -> memref<65xf32, #tpu.memory_space<hbm>>
    %dma_wait3A_395 = arith.constant 0 : i32
    %dma_wait3A_396 = tpu.memref_slice %arg2[%dma_wait3A_391, %dma_wait3A_395] : memref<1000000x65xf32, #tpu.memory_space<hbm>> -> memref<1x65xf32, #tpu.memory_space<hbm>>
    %dma_wait3A_397 = tpu.memref_squeeze %dma_wait3A_396 : memref<1x65xf32, #tpu.memory_space<hbm>> -> memref<65xf32, #tpu.memory_space<hbm>>
    tpu.wait_dma2 semaphore(%arg6 : memref<!tpu.dma_semaphore, #tpu.memory_space<semaphore_mem>>) src(%dma_wait3A_397 : memref<65xf32, #tpu.memory_space<hbm>>) dst(%dma_wait3A_394 : memref<65xf32, #tpu.memory_space<hbm>>)
    %add3A_398 = arith.constant 7 : i32
    %add3A_399 = arith.addi %add3A_335, %add3A_398 : i32
    %dma_wait3A_400 = arith.constant 0 : i32
    %dma_wait3A_401 = arith.constant 0 : i32
    %dma_wait3A_402 = tpu.memref_slice %arg4[%add3A_399, %dma_wait3A_401] : memref<32768x65xf32, #tpu.memory_space<hbm>> -> memref<1x65xf32, #tpu.memory_space<hbm>>
    %dma_wait3A_403 = tpu.memref_squeeze %dma_wait3A_402 : memref<1x65xf32, #tpu.memory_space<hbm>> -> memref<65xf32, #tpu.memory_space<hbm>>
    %dma_wait3A_404 = arith.constant 0 : i32
    %dma_wait3A_405 = tpu.memref_slice %arg2[%dma_wait3A_400, %dma_wait3A_404] : memref<1000000x65xf32, #tpu.memory_space<hbm>> -> memref<1x65xf32, #tpu.memory_space<hbm>>
    %dma_wait3A_406 = tpu.memref_squeeze %dma_wait3A_405 : memref<1x65xf32, #tpu.memory_space<hbm>> -> memref<65xf32, #tpu.memory_space<hbm>>
    tpu.wait_dma2 semaphore(%arg6 : memref<!tpu.dma_semaphore, #tpu.memory_space<semaphore_mem>>) src(%dma_wait3A_406 : memref<65xf32, #tpu.memory_space<hbm>>) dst(%dma_wait3A_403 : memref<65xf32, #tpu.memory_space<hbm>>)
    %add3A_407 = arith.constant 8 : i32
    %add3A_408 = arith.addi %add3A_335, %add3A_407 : i32
    %dma_wait3A_409 = arith.constant 0 : i32
    %dma_wait3A_410 = arith.constant 0 : i32
    %dma_wait3A_411 = tpu.memref_slice %arg4[%add3A_408, %dma_wait3A_410] : memref<32768x65xf32, #tpu.memory_space<hbm>> -> memref<1x65xf32, #tpu.memory_space<hbm>>
    %dma_wait3A_412 = tpu.memref_squeeze %dma_wait3A_411 : memref<1x65xf32, #tpu.memory_space<hbm>> -> memref<65xf32, #tpu.memory_space<hbm>>
    %dma_wait3A_413 = arith.constant 0 : i32
    %dma_wait3A_414 = tpu.memref_slice %arg2[%dma_wait3A_409, %dma_wait3A_413] : memref<1000000x65xf32, #tpu.memory_space<hbm>> -> memref<1x65xf32, #tpu.memory_space<hbm>>
    %dma_wait3A_415 = tpu.memref_squeeze %dma_wait3A_414 : memref<1x65xf32, #tpu.memory_space<hbm>> -> memref<65xf32, #tpu.memory_space<hbm>>
    tpu.wait_dma2 semaphore(%arg6 : memref<!tpu.dma_semaphore, #tpu.memory_space<semaphore_mem>>) src(%dma_wait3A_415 : memref<65xf32, #tpu.memory_space<hbm>>) dst(%dma_wait3A_412 : memref<65xf32, #tpu.memory_space<hbm>>)
    %add3A_416 = arith.constant 9 : i32
    %add3A_417 = arith.addi %add3A_335, %add3A_416 : i32
    %dma_wait3A_418 = arith.constant 0 : i32
    %dma_wait3A_419 = arith.constant 0 : i32
    %dma_wait3A_420 = tpu.memref_slice %arg4[%add3A_417, %dma_wait3A_419] : memref<32768x65xf32, #tpu.memory_space<hbm>> -> memref<1x65xf32, #tpu.memory_space<hbm>>
    %dma_wait3A_421 = tpu.memref_squeeze %dma_wait3A_420 : memref<1x65xf32, #tpu.memory_space<hbm>> -> memref<65xf32, #tpu.memory_space<hbm>>
    %dma_wait3A_422 = arith.constant 0 : i32
    %dma_wait3A_423 = tpu.memref_slice %arg2[%dma_wait3A_418, %dma_wait3A_422] : memref<1000000x65xf32, #tpu.memory_space<hbm>> -> memref<1x65xf32, #tpu.memory_space<hbm>>
    %dma_wait3A_424 = tpu.memref_squeeze %dma_wait3A_423 : memref<1x65xf32, #tpu.memory_space<hbm>> -> memref<65xf32, #tpu.memory_space<hbm>>
    tpu.wait_dma2 semaphore(%arg6 : memref<!tpu.dma_semaphore, #tpu.memory_space<semaphore_mem>>) src(%dma_wait3A_424 : memref<65xf32, #tpu.memory_space<hbm>>) dst(%dma_wait3A_421 : memref<65xf32, #tpu.memory_space<hbm>>)
    %add3A_425 = arith.constant 10 : i32
    %add3A_426 = arith.addi %add3A_335, %add3A_425 : i32
    %dma_wait3A_427 = arith.constant 0 : i32
    %dma_wait3A_428 = arith.constant 0 : i32
    %dma_wait3A_429 = tpu.memref_slice %arg4[%add3A_426, %dma_wait3A_428] : memref<32768x65xf32, #tpu.memory_space<hbm>> -> memref<1x65xf32, #tpu.memory_space<hbm>>
    %dma_wait3A_430 = tpu.memref_squeeze %dma_wait3A_429 : memref<1x65xf32, #tpu.memory_space<hbm>> -> memref<65xf32, #tpu.memory_space<hbm>>
    %dma_wait3A_431 = arith.constant 0 : i32
    %dma_wait3A_432 = tpu.memref_slice %arg2[%dma_wait3A_427, %dma_wait3A_431] : memref<1000000x65xf32, #tpu.memory_space<hbm>> -> memref<1x65xf32, #tpu.memory_space<hbm>>
    %dma_wait3A_433 = tpu.memref_squeeze %dma_wait3A_432 : memref<1x65xf32, #tpu.memory_space<hbm>> -> memref<65xf32, #tpu.memory_space<hbm>>
    tpu.wait_dma2 semaphore(%arg6 : memref<!tpu.dma_semaphore, #tpu.memory_space<semaphore_mem>>) src(%dma_wait3A_433 : memref<65xf32, #tpu.memory_space<hbm>>) dst(%dma_wait3A_430 : memref<65xf32, #tpu.memory_space<hbm>>)
    %add3A_434 = arith.constant 11 : i32
    %add3A_435 = arith.addi %add3A_335, %add3A_434 : i32
    %dma_wait3A_436 = arith.constant 0 : i32
    %dma_wait3A_437 = arith.constant 0 : i32
    %dma_wait3A_438 = tpu.memref_slice %arg4[%add3A_435, %dma_wait3A_437] : memref<32768x65xf32, #tpu.memory_space<hbm>> -> memref<1x65xf32, #tpu.memory_space<hbm>>
    %dma_wait3A_439 = tpu.memref_squeeze %dma_wait3A_438 : memref<1x65xf32, #tpu.memory_space<hbm>> -> memref<65xf32, #tpu.memory_space<hbm>>
    %dma_wait3A_440 = arith.constant 0 : i32
    %dma_wait3A_441 = tpu.memref_slice %arg2[%dma_wait3A_436, %dma_wait3A_440] : memref<1000000x65xf32, #tpu.memory_space<hbm>> -> memref<1x65xf32, #tpu.memory_space<hbm>>
    %dma_wait3A_442 = tpu.memref_squeeze %dma_wait3A_441 : memref<1x65xf32, #tpu.memory_space<hbm>> -> memref<65xf32, #tpu.memory_space<hbm>>
    tpu.wait_dma2 semaphore(%arg6 : memref<!tpu.dma_semaphore, #tpu.memory_space<semaphore_mem>>) src(%dma_wait3A_442 : memref<65xf32, #tpu.memory_space<hbm>>) dst(%dma_wait3A_439 : memref<65xf32, #tpu.memory_space<hbm>>)
    %add3A_443 = arith.constant 12 : i32
    %add3A_444 = arith.addi %add3A_335, %add3A_443 : i32
    %dma_wait3A_445 = arith.constant 0 : i32
    %dma_wait3A_446 = arith.constant 0 : i32
    %dma_wait3A_447 = tpu.memref_slice %arg4[%add3A_444, %dma_wait3A_446] : memref<32768x65xf32, #tpu.memory_space<hbm>> -> memref<1x65xf32, #tpu.memory_space<hbm>>
    %dma_wait3A_448 = tpu.memref_squeeze %dma_wait3A_447 : memref<1x65xf32, #tpu.memory_space<hbm>> -> memref<65xf32, #tpu.memory_space<hbm>>
    %dma_wait3A_449 = arith.constant 0 : i32
    %dma_wait3A_450 = tpu.memref_slice %arg2[%dma_wait3A_445, %dma_wait3A_449] : memref<1000000x65xf32, #tpu.memory_space<hbm>> -> memref<1x65xf32, #tpu.memory_space<hbm>>
    %dma_wait3A_451 = tpu.memref_squeeze %dma_wait3A_450 : memref<1x65xf32, #tpu.memory_space<hbm>> -> memref<65xf32, #tpu.memory_space<hbm>>
    tpu.wait_dma2 semaphore(%arg6 : memref<!tpu.dma_semaphore, #tpu.memory_space<semaphore_mem>>) src(%dma_wait3A_451 : memref<65xf32, #tpu.memory_space<hbm>>) dst(%dma_wait3A_448 : memref<65xf32, #tpu.memory_space<hbm>>)
    %add3A_452 = arith.constant 13 : i32
    %add3A_453 = arith.addi %add3A_335, %add3A_452 : i32
    %dma_wait3A_454 = arith.constant 0 : i32
    %dma_wait3A_455 = arith.constant 0 : i32
    %dma_wait3A_456 = tpu.memref_slice %arg4[%add3A_453, %dma_wait3A_455] : memref<32768x65xf32, #tpu.memory_space<hbm>> -> memref<1x65xf32, #tpu.memory_space<hbm>>
    %dma_wait3A_457 = tpu.memref_squeeze %dma_wait3A_456 : memref<1x65xf32, #tpu.memory_space<hbm>> -> memref<65xf32, #tpu.memory_space<hbm>>
    %dma_wait3A_458 = arith.constant 0 : i32
    %dma_wait3A_459 = tpu.memref_slice %arg2[%dma_wait3A_454, %dma_wait3A_458] : memref<1000000x65xf32, #tpu.memory_space<hbm>> -> memref<1x65xf32, #tpu.memory_space<hbm>>
    %dma_wait3A_460 = tpu.memref_squeeze %dma_wait3A_459 : memref<1x65xf32, #tpu.memory_space<hbm>> -> memref<65xf32, #tpu.memory_space<hbm>>
    tpu.wait_dma2 semaphore(%arg6 : memref<!tpu.dma_semaphore, #tpu.memory_space<semaphore_mem>>) src(%dma_wait3A_460 : memref<65xf32, #tpu.memory_space<hbm>>) dst(%dma_wait3A_457 : memref<65xf32, #tpu.memory_space<hbm>>)
    %add3A_461 = arith.constant 14 : i32
    %add3A_462 = arith.addi %add3A_335, %add3A_461 : i32
    %dma_wait3A_463 = arith.constant 0 : i32
    %dma_wait3A_464 = arith.constant 0 : i32
    %dma_wait3A_465 = tpu.memref_slice %arg4[%add3A_462, %dma_wait3A_464] : memref<32768x65xf32, #tpu.memory_space<hbm>> -> memref<1x65xf32, #tpu.memory_space<hbm>>
    %dma_wait3A_466 = tpu.memref_squeeze %dma_wait3A_465 : memref<1x65xf32, #tpu.memory_space<hbm>> -> memref<65xf32, #tpu.memory_space<hbm>>
    %dma_wait3A_467 = arith.constant 0 : i32
    %dma_wait3A_468 = tpu.memref_slice %arg2[%dma_wait3A_463, %dma_wait3A_467] : memref<1000000x65xf32, #tpu.memory_space<hbm>> -> memref<1x65xf32, #tpu.memory_space<hbm>>
    %dma_wait3A_469 = tpu.memref_squeeze %dma_wait3A_468 : memref<1x65xf32, #tpu.memory_space<hbm>> -> memref<65xf32, #tpu.memory_space<hbm>>
    tpu.wait_dma2 semaphore(%arg6 : memref<!tpu.dma_semaphore, #tpu.memory_space<semaphore_mem>>) src(%dma_wait3A_469 : memref<65xf32, #tpu.memory_space<hbm>>) dst(%dma_wait3A_466 : memref<65xf32, #tpu.memory_space<hbm>>)
    %add3A_470 = arith.constant 15 : i32
    %add3A_471 = arith.addi %add3A_335, %add3A_470 : i32
    %dma_wait3A_472 = arith.constant 0 : i32
    %dma_wait3A_473 = arith.constant 0 : i32
    %dma_wait3A_474 = tpu.memref_slice %arg4[%add3A_471, %dma_wait3A_473] : memref<32768x65xf32, #tpu.memory_space<hbm>> -> memref<1x65xf32, #tpu.memory_space<hbm>>
    %dma_wait3A_475 = tpu.memref_squeeze %dma_wait3A_474 : memref<1x65xf32, #tpu.memory_space<hbm>> -> memref<65xf32, #tpu.memory_space<hbm>>
    %dma_wait3A_476 = arith.constant 0 : i32
    %dma_wait3A_477 = tpu.memref_slice %arg2[%dma_wait3A_472, %dma_wait3A_476] : memref<1000000x65xf32, #tpu.memory_space<hbm>> -> memref<1x65xf32, #tpu.memory_space<hbm>>
    %dma_wait3A_478 = tpu.memref_squeeze %dma_wait3A_477 : memref<1x65xf32, #tpu.memory_space<hbm>> -> memref<65xf32, #tpu.memory_space<hbm>>
    tpu.wait_dma2 semaphore(%arg6 : memref<!tpu.dma_semaphore, #tpu.memory_space<semaphore_mem>>) src(%dma_wait3A_478 : memref<65xf32, #tpu.memory_space<hbm>>) dst(%dma_wait3A_475 : memref<65xf32, #tpu.memory_space<hbm>>)
    %add3A_479 = arith.constant 1008 : i32
    %add3A_480 = arith.addi %mul3A_2, %add3A_479 : i32
    %add3A_481 = arith.constant 0 : i32
    %add3A_482 = arith.addi %add3A_480, %add3A_481 : i32
    %dma_wait3A_483 = arith.constant 0 : i32
    %dma_wait3A_484 = arith.constant 0 : i32
    %dma_wait3A_485 = tpu.memref_slice %arg4[%add3A_482, %dma_wait3A_484] : memref<32768x65xf32, #tpu.memory_space<hbm>> -> memref<1x65xf32, #tpu.memory_space<hbm>>
    %dma_wait3A_486 = tpu.memref_squeeze %dma_wait3A_485 : memref<1x65xf32, #tpu.memory_space<hbm>> -> memref<65xf32, #tpu.memory_space<hbm>>
    %dma_wait3A_487 = arith.constant 0 : i32
    %dma_wait3A_488 = tpu.memref_slice %arg2[%dma_wait3A_483, %dma_wait3A_487] : memref<1000000x65xf32, #tpu.memory_space<hbm>> -> memref<1x65xf32, #tpu.memory_space<hbm>>
    %dma_wait3A_489 = tpu.memref_squeeze %dma_wait3A_488 : memref<1x65xf32, #tpu.memory_space<hbm>> -> memref<65xf32, #tpu.memory_space<hbm>>
    tpu.wait_dma2 semaphore(%arg6 : memref<!tpu.dma_semaphore, #tpu.memory_space<semaphore_mem>>) src(%dma_wait3A_489 : memref<65xf32, #tpu.memory_space<hbm>>) dst(%dma_wait3A_486 : memref<65xf32, #tpu.memory_space<hbm>>)
    %add3A_490 = arith.constant 1 : i32
    %add3A_491 = arith.addi %add3A_480, %add3A_490 : i32
    %dma_wait3A_492 = arith.constant 0 : i32
    %dma_wait3A_493 = arith.constant 0 : i32
    %dma_wait3A_494 = tpu.memref_slice %arg4[%add3A_491, %dma_wait3A_493] : memref<32768x65xf32, #tpu.memory_space<hbm>> -> memref<1x65xf32, #tpu.memory_space<hbm>>
    %dma_wait3A_495 = tpu.memref_squeeze %dma_wait3A_494 : memref<1x65xf32, #tpu.memory_space<hbm>> -> memref<65xf32, #tpu.memory_space<hbm>>
    %dma_wait3A_496 = arith.constant 0 : i32
    %dma_wait3A_497 = tpu.memref_slice %arg2[%dma_wait3A_492, %dma_wait3A_496] : memref<1000000x65xf32, #tpu.memory_space<hbm>> -> memref<1x65xf32, #tpu.memory_space<hbm>>
    %dma_wait3A_498 = tpu.memref_squeeze %dma_wait3A_497 : memref<1x65xf32, #tpu.memory_space<hbm>> -> memref<65xf32, #tpu.memory_space<hbm>>
    tpu.wait_dma2 semaphore(%arg6 : memref<!tpu.dma_semaphore, #tpu.memory_space<semaphore_mem>>) src(%dma_wait3A_498 : memref<65xf32, #tpu.memory_space<hbm>>) dst(%dma_wait3A_495 : memref<65xf32, #tpu.memory_space<hbm>>)
    %add3A_499 = arith.constant 2 : i32
    %add3A_500 = arith.addi %add3A_480, %add3A_499 : i32
    %dma_wait3A_501 = arith.constant 0 : i32
    %dma_wait3A_502 = arith.constant 0 : i32
    %dma_wait3A_503 = tpu.memref_slice %arg4[%add3A_500, %dma_wait3A_502] : memref<32768x65xf32, #tpu.memory_space<hbm>> -> memref<1x65xf32, #tpu.memory_space<hbm>>
    %dma_wait3A_504 = tpu.memref_squeeze %dma_wait3A_503 : memref<1x65xf32, #tpu.memory_space<hbm>> -> memref<65xf32, #tpu.memory_space<hbm>>
    %dma_wait3A_505 = arith.constant 0 : i32
    %dma_wait3A_506 = tpu.memref_slice %arg2[%dma_wait3A_501, %dma_wait3A_505] : memref<1000000x65xf32, #tpu.memory_space<hbm>> -> memref<1x65xf32, #tpu.memory_space<hbm>>
    %dma_wait3A_507 = tpu.memref_squeeze %dma_wait3A_506 : memref<1x65xf32, #tpu.memory_space<hbm>> -> memref<65xf32, #tpu.memory_space<hbm>>
    tpu.wait_dma2 semaphore(%arg6 : memref<!tpu.dma_semaphore, #tpu.memory_space<semaphore_mem>>) src(%dma_wait3A_507 : memref<65xf32, #tpu.memory_space<hbm>>) dst(%dma_wait3A_504 : memref<65xf32, #tpu.memory_space<hbm>>)
    %add3A_508 = arith.constant 3 : i32
    %add3A_509 = arith.addi %add3A_480, %add3A_508 : i32
    %dma_wait3A_510 = arith.constant 0 : i32
    %dma_wait3A_511 = arith.constant 0 : i32
    %dma_wait3A_512 = tpu.memref_slice %arg4[%add3A_509, %dma_wait3A_511] : memref<32768x65xf32, #tpu.memory_space<hbm>> -> memref<1x65xf32, #tpu.memory_space<hbm>>
    %dma_wait3A_513 = tpu.memref_squeeze %dma_wait3A_512 : memref<1x65xf32, #tpu.memory_space<hbm>> -> memref<65xf32, #tpu.memory_space<hbm>>
    %dma_wait3A_514 = arith.constant 0 : i32
    %dma_wait3A_515 = tpu.memref_slice %arg2[%dma_wait3A_510, %dma_wait3A_514] : memref<1000000x65xf32, #tpu.memory_space<hbm>> -> memref<1x65xf32, #tpu.memory_space<hbm>>
    %dma_wait3A_516 = tpu.memref_squeeze %dma_wait3A_515 : memref<1x65xf32, #tpu.memory_space<hbm>> -> memref<65xf32, #tpu.memory_space<hbm>>
    tpu.wait_dma2 semaphore(%arg6 : memref<!tpu.dma_semaphore, #tpu.memory_space<semaphore_mem>>) src(%dma_wait3A_516 : memref<65xf32, #tpu.memory_space<hbm>>) dst(%dma_wait3A_513 : memref<65xf32, #tpu.memory_space<hbm>>)
    %add3A_517 = arith.constant 4 : i32
    %add3A_518 = arith.addi %add3A_480, %add3A_517 : i32
    %dma_wait3A_519 = arith.constant 0 : i32
    %dma_wait3A_520 = arith.constant 0 : i32
    %dma_wait3A_521 = tpu.memref_slice %arg4[%add3A_518, %dma_wait3A_520] : memref<32768x65xf32, #tpu.memory_space<hbm>> -> memref<1x65xf32, #tpu.memory_space<hbm>>
    %dma_wait3A_522 = tpu.memref_squeeze %dma_wait3A_521 : memref<1x65xf32, #tpu.memory_space<hbm>> -> memref<65xf32, #tpu.memory_space<hbm>>
    %dma_wait3A_523 = arith.constant 0 : i32
    %dma_wait3A_524 = tpu.memref_slice %arg2[%dma_wait3A_519, %dma_wait3A_523] : memref<1000000x65xf32, #tpu.memory_space<hbm>> -> memref<1x65xf32, #tpu.memory_space<hbm>>
    %dma_wait3A_525 = tpu.memref_squeeze %dma_wait3A_524 : memref<1x65xf32, #tpu.memory_space<hbm>> -> memref<65xf32, #tpu.memory_space<hbm>>
    tpu.wait_dma2 semaphore(%arg6 : memref<!tpu.dma_semaphore, #tpu.memory_space<semaphore_mem>>) src(%dma_wait3A_525 : memref<65xf32, #tpu.memory_space<hbm>>) dst(%dma_wait3A_522 : memref<65xf32, #tpu.memory_space<hbm>>)
    %add3A_526 = arith.constant 5 : i32
    %add3A_527 = arith.addi %add3A_480, %add3A_526 : i32
    %dma_wait3A_528 = arith.constant 0 : i32
    %dma_wait3A_529 = arith.constant 0 : i32
    %dma_wait3A_530 = tpu.memref_slice %arg4[%add3A_527, %dma_wait3A_529] : memref<32768x65xf32, #tpu.memory_space<hbm>> -> memref<1x65xf32, #tpu.memory_space<hbm>>
    %dma_wait3A_531 = tpu.memref_squeeze %dma_wait3A_530 : memref<1x65xf32, #tpu.memory_space<hbm>> -> memref<65xf32, #tpu.memory_space<hbm>>
    %dma_wait3A_532 = arith.constant 0 : i32
    %dma_wait3A_533 = tpu.memref_slice %arg2[%dma_wait3A_528, %dma_wait3A_532] : memref<1000000x65xf32, #tpu.memory_space<hbm>> -> memref<1x65xf32, #tpu.memory_space<hbm>>
    %dma_wait3A_534 = tpu.memref_squeeze %dma_wait3A_533 : memref<1x65xf32, #tpu.memory_space<hbm>> -> memref<65xf32, #tpu.memory_space<hbm>>
    tpu.wait_dma2 semaphore(%arg6 : memref<!tpu.dma_semaphore, #tpu.memory_space<semaphore_mem>>) src(%dma_wait3A_534 : memref<65xf32, #tpu.memory_space<hbm>>) dst(%dma_wait3A_531 : memref<65xf32, #tpu.memory_space<hbm>>)
    %add3A_535 = arith.constant 6 : i32
    %add3A_536 = arith.addi %add3A_480, %add3A_535 : i32
    %dma_wait3A_537 = arith.constant 0 : i32
    %dma_wait3A_538 = arith.constant 0 : i32
    %dma_wait3A_539 = tpu.memref_slice %arg4[%add3A_536, %dma_wait3A_538] : memref<32768x65xf32, #tpu.memory_space<hbm>> -> memref<1x65xf32, #tpu.memory_space<hbm>>
    %dma_wait3A_540 = tpu.memref_squeeze %dma_wait3A_539 : memref<1x65xf32, #tpu.memory_space<hbm>> -> memref<65xf32, #tpu.memory_space<hbm>>
    %dma_wait3A_541 = arith.constant 0 : i32
    %dma_wait3A_542 = tpu.memref_slice %arg2[%dma_wait3A_537, %dma_wait3A_541] : memref<1000000x65xf32, #tpu.memory_space<hbm>> -> memref<1x65xf32, #tpu.memory_space<hbm>>
    %dma_wait3A_543 = tpu.memref_squeeze %dma_wait3A_542 : memref<1x65xf32, #tpu.memory_space<hbm>> -> memref<65xf32, #tpu.memory_space<hbm>>
    tpu.wait_dma2 semaphore(%arg6 : memref<!tpu.dma_semaphore, #tpu.memory_space<semaphore_mem>>) src(%dma_wait3A_543 : memref<65xf32, #tpu.memory_space<hbm>>) dst(%dma_wait3A_540 : memref<65xf32, #tpu.memory_space<hbm>>)
    %add3A_544 = arith.constant 7 : i32
    %add3A_545 = arith.addi %add3A_480, %add3A_544 : i32
    %dma_wait3A_546 = arith.constant 0 : i32
    %dma_wait3A_547 = arith.constant 0 : i32
    %dma_wait3A_548 = tpu.memref_slice %arg4[%add3A_545, %dma_wait3A_547] : memref<32768x65xf32, #tpu.memory_space<hbm>> -> memref<1x65xf32, #tpu.memory_space<hbm>>
    %dma_wait3A_549 = tpu.memref_squeeze %dma_wait3A_548 : memref<1x65xf32, #tpu.memory_space<hbm>> -> memref<65xf32, #tpu.memory_space<hbm>>
    %dma_wait3A_550 = arith.constant 0 : i32
    %dma_wait3A_551 = tpu.memref_slice %arg2[%dma_wait3A_546, %dma_wait3A_550] : memref<1000000x65xf32, #tpu.memory_space<hbm>> -> memref<1x65xf32, #tpu.memory_space<hbm>>
    %dma_wait3A_552 = tpu.memref_squeeze %dma_wait3A_551 : memref<1x65xf32, #tpu.memory_space<hbm>> -> memref<65xf32, #tpu.memory_space<hbm>>
    tpu.wait_dma2 semaphore(%arg6 : memref<!tpu.dma_semaphore, #tpu.memory_space<semaphore_mem>>) src(%dma_wait3A_552 : memref<65xf32, #tpu.memory_space<hbm>>) dst(%dma_wait3A_549 : memref<65xf32, #tpu.memory_space<hbm>>)
    %add3A_553 = arith.constant 8 : i32
    %add3A_554 = arith.addi %add3A_480, %add3A_553 : i32
    %dma_wait3A_555 = arith.constant 0 : i32
    %dma_wait3A_556 = arith.constant 0 : i32
    %dma_wait3A_557 = tpu.memref_slice %arg4[%add3A_554, %dma_wait3A_556] : memref<32768x65xf32, #tpu.memory_space<hbm>> -> memref<1x65xf32, #tpu.memory_space<hbm>>
    %dma_wait3A_558 = tpu.memref_squeeze %dma_wait3A_557 : memref<1x65xf32, #tpu.memory_space<hbm>> -> memref<65xf32, #tpu.memory_space<hbm>>
    %dma_wait3A_559 = arith.constant 0 : i32
    %dma_wait3A_560 = tpu.memref_slice %arg2[%dma_wait3A_555, %dma_wait3A_559] : memref<1000000x65xf32, #tpu.memory_space<hbm>> -> memref<1x65xf32, #tpu.memory_space<hbm>>
    %dma_wait3A_561 = tpu.memref_squeeze %dma_wait3A_560 : memref<1x65xf32, #tpu.memory_space<hbm>> -> memref<65xf32, #tpu.memory_space<hbm>>
    tpu.wait_dma2 semaphore(%arg6 : memref<!tpu.dma_semaphore, #tpu.memory_space<semaphore_mem>>) src(%dma_wait3A_561 : memref<65xf32, #tpu.memory_space<hbm>>) dst(%dma_wait3A_558 : memref<65xf32, #tpu.memory_space<hbm>>)
    %add3A_562 = arith.constant 9 : i32
    %add3A_563 = arith.addi %add3A_480, %add3A_562 : i32
    %dma_wait3A_564 = arith.constant 0 : i32
    %dma_wait3A_565 = arith.constant 0 : i32
    %dma_wait3A_566 = tpu.memref_slice %arg4[%add3A_563, %dma_wait3A_565] : memref<32768x65xf32, #tpu.memory_space<hbm>> -> memref<1x65xf32, #tpu.memory_space<hbm>>
    %dma_wait3A_567 = tpu.memref_squeeze %dma_wait3A_566 : memref<1x65xf32, #tpu.memory_space<hbm>> -> memref<65xf32, #tpu.memory_space<hbm>>
    %dma_wait3A_568 = arith.constant 0 : i32
    %dma_wait3A_569 = tpu.memref_slice %arg2[%dma_wait3A_564, %dma_wait3A_568] : memref<1000000x65xf32, #tpu.memory_space<hbm>> -> memref<1x65xf32, #tpu.memory_space<hbm>>
    %dma_wait3A_570 = tpu.memref_squeeze %dma_wait3A_569 : memref<1x65xf32, #tpu.memory_space<hbm>> -> memref<65xf32, #tpu.memory_space<hbm>>
    tpu.wait_dma2 semaphore(%arg6 : memref<!tpu.dma_semaphore, #tpu.memory_space<semaphore_mem>>) src(%dma_wait3A_570 : memref<65xf32, #tpu.memory_space<hbm>>) dst(%dma_wait3A_567 : memref<65xf32, #tpu.memory_space<hbm>>)
    %add3A_571 = arith.constant 10 : i32
    %add3A_572 = arith.addi %add3A_480, %add3A_571 : i32
    %dma_wait3A_573 = arith.constant 0 : i32
    %dma_wait3A_574 = arith.constant 0 : i32
    %dma_wait3A_575 = tpu.memref_slice %arg4[%add3A_572, %dma_wait3A_574] : memref<32768x65xf32, #tpu.memory_space<hbm>> -> memref<1x65xf32, #tpu.memory_space<hbm>>
    %dma_wait3A_576 = tpu.memref_squeeze %dma_wait3A_575 : memref<1x65xf32, #tpu.memory_space<hbm>> -> memref<65xf32, #tpu.memory_space<hbm>>
    %dma_wait3A_577 = arith.constant 0 : i32
    %dma_wait3A_578 = tpu.memref_slice %arg2[%dma_wait3A_573, %dma_wait3A_577] : memref<1000000x65xf32, #tpu.memory_space<hbm>> -> memref<1x65xf32, #tpu.memory_space<hbm>>
    %dma_wait3A_579 = tpu.memref_squeeze %dma_wait3A_578 : memref<1x65xf32, #tpu.memory_space<hbm>> -> memref<65xf32, #tpu.memory_space<hbm>>
    tpu.wait_dma2 semaphore(%arg6 : memref<!tpu.dma_semaphore, #tpu.memory_space<semaphore_mem>>) src(%dma_wait3A_579 : memref<65xf32, #tpu.memory_space<hbm>>) dst(%dma_wait3A_576 : memref<65xf32, #tpu.memory_space<hbm>>)
    %add3A_580 = arith.constant 11 : i32
    %add3A_581 = arith.addi %add3A_480, %add3A_580 : i32
    %dma_wait3A_582 = arith.constant 0 : i32
    %dma_wait3A_583 = arith.constant 0 : i32
    %dma_wait3A_584 = tpu.memref_slice %arg4[%add3A_581, %dma_wait3A_583] : memref<32768x65xf32, #tpu.memory_space<hbm>> -> memref<1x65xf32, #tpu.memory_space<hbm>>
    %dma_wait3A_585 = tpu.memref_squeeze %dma_wait3A_584 : memref<1x65xf32, #tpu.memory_space<hbm>> -> memref<65xf32, #tpu.memory_space<hbm>>
    %dma_wait3A_586 = arith.constant 0 : i32
    %dma_wait3A_587 = tpu.memref_slice %arg2[%dma_wait3A_582, %dma_wait3A_586] : memref<1000000x65xf32, #tpu.memory_space<hbm>> -> memref<1x65xf32, #tpu.memory_space<hbm>>
    %dma_wait3A_588 = tpu.memref_squeeze %dma_wait3A_587 : memref<1x65xf32, #tpu.memory_space<hbm>> -> memref<65xf32, #tpu.memory_space<hbm>>
    tpu.wait_dma2 semaphore(%arg6 : memref<!tpu.dma_semaphore, #tpu.memory_space<semaphore_mem>>) src(%dma_wait3A_588 : memref<65xf32, #tpu.memory_space<hbm>>) dst(%dma_wait3A_585 : memref<65xf32, #tpu.memory_space<hbm>>)
    %add3A_589 = arith.constant 12 : i32
    %add3A_590 = arith.addi %add3A_480, %add3A_589 : i32
    %dma_wait3A_591 = arith.constant 0 : i32
    %dma_wait3A_592 = arith.constant 0 : i32
    %dma_wait3A_593 = tpu.memref_slice %arg4[%add3A_590, %dma_wait3A_592] : memref<32768x65xf32, #tpu.memory_space<hbm>> -> memref<1x65xf32, #tpu.memory_space<hbm>>
    %dma_wait3A_594 = tpu.memref_squeeze %dma_wait3A_593 : memref<1x65xf32, #tpu.memory_space<hbm>> -> memref<65xf32, #tpu.memory_space<hbm>>
    %dma_wait3A_595 = arith.constant 0 : i32
    %dma_wait3A_596 = tpu.memref_slice %arg2[%dma_wait3A_591, %dma_wait3A_595] : memref<1000000x65xf32, #tpu.memory_space<hbm>> -> memref<1x65xf32, #tpu.memory_space<hbm>>
    %dma_wait3A_597 = tpu.memref_squeeze %dma_wait3A_596 : memref<1x65xf32, #tpu.memory_space<hbm>> -> memref<65xf32, #tpu.memory_space<hbm>>
    tpu.wait_dma2 semaphore(%arg6 : memref<!tpu.dma_semaphore, #tpu.memory_space<semaphore_mem>>) src(%dma_wait3A_597 : memref<65xf32, #tpu.memory_space<hbm>>) dst(%dma_wait3A_594 : memref<65xf32, #tpu.memory_space<hbm>>)
    %add3A_598 = arith.constant 13 : i32
    %add3A_599 = arith.addi %add3A_480, %add3A_598 : i32
    %dma_wait3A_600 = arith.constant 0 : i32
    %dma_wait3A_601 = arith.constant 0 : i32
    %dma_wait3A_602 = tpu.memref_slice %arg4[%add3A_599, %dma_wait3A_601] : memref<32768x65xf32, #tpu.memory_space<hbm>> -> memref<1x65xf32, #tpu.memory_space<hbm>>
    %dma_wait3A_603 = tpu.memref_squeeze %dma_wait3A_602 : memref<1x65xf32, #tpu.memory_space<hbm>> -> memref<65xf32, #tpu.memory_space<hbm>>
    %dma_wait3A_604 = arith.constant 0 : i32
    %dma_wait3A_605 = tpu.memref_slice %arg2[%dma_wait3A_600, %dma_wait3A_604] : memref<1000000x65xf32, #tpu.memory_space<hbm>> -> memref<1x65xf32, #tpu.memory_space<hbm>>
    %dma_wait3A_606 = tpu.memref_squeeze %dma_wait3A_605 : memref<1x65xf32, #tpu.memory_space<hbm>> -> memref<65xf32, #tpu.memory_space<hbm>>
    tpu.wait_dma2 semaphore(%arg6 : memref<!tpu.dma_semaphore, #tpu.memory_space<semaphore_mem>>) src(%dma_wait3A_606 : memref<65xf32, #tpu.memory_space<hbm>>) dst(%dma_wait3A_603 : memref<65xf32, #tpu.memory_space<hbm>>)
    %add3A_607 = arith.constant 14 : i32
    %add3A_608 = arith.addi %add3A_480, %add3A_607 : i32
    %dma_wait3A_609 = arith.constant 0 : i32
    %dma_wait3A_610 = arith.constant 0 : i32
    %dma_wait3A_611 = tpu.memref_slice %arg4[%add3A_608, %dma_wait3A_610] : memref<32768x65xf32, #tpu.memory_space<hbm>> -> memref<1x65xf32, #tpu.memory_space<hbm>>
    %dma_wait3A_612 = tpu.memref_squeeze %dma_wait3A_611 : memref<1x65xf32, #tpu.memory_space<hbm>> -> memref<65xf32, #tpu.memory_space<hbm>>
    %dma_wait3A_613 = arith.constant 0 : i32
    %dma_wait3A_614 = tpu.memref_slice %arg2[%dma_wait3A_609, %dma_wait3A_613] : memref<1000000x65xf32, #tpu.memory_space<hbm>> -> memref<1x65xf32, #tpu.memory_space<hbm>>
    %dma_wait3A_615 = tpu.memref_squeeze %dma_wait3A_614 : memref<1x65xf32, #tpu.memory_space<hbm>> -> memref<65xf32, #tpu.memory_space<hbm>>
    tpu.wait_dma2 semaphore(%arg6 : memref<!tpu.dma_semaphore, #tpu.memory_space<semaphore_mem>>) src(%dma_wait3A_615 : memref<65xf32, #tpu.memory_space<hbm>>) dst(%dma_wait3A_612 : memref<65xf32, #tpu.memory_space<hbm>>)
    %add3A_616 = arith.constant 15 : i32
    %add3A_617 = arith.addi %add3A_480, %add3A_616 : i32
    %dma_wait3A_618 = arith.constant 0 : i32
    %dma_wait3A_619 = arith.constant 0 : i32
    %dma_wait3A_620 = tpu.memref_slice %arg4[%add3A_617, %dma_wait3A_619] : memref<32768x65xf32, #tpu.memory_space<hbm>> -> memref<1x65xf32, #tpu.memory_space<hbm>>
    %dma_wait3A_621 = tpu.memref_squeeze %dma_wait3A_620 : memref<1x65xf32, #tpu.memory_space<hbm>> -> memref<65xf32, #tpu.memory_space<hbm>>
    %dma_wait3A_622 = arith.constant 0 : i32
    %dma_wait3A_623 = tpu.memref_slice %arg2[%dma_wait3A_618, %dma_wait3A_622] : memref<1000000x65xf32, #tpu.memory_space<hbm>> -> memref<1x65xf32, #tpu.memory_space<hbm>>
    %dma_wait3A_624 = tpu.memref_squeeze %dma_wait3A_623 : memref<1x65xf32, #tpu.memory_space<hbm>> -> memref<65xf32, #tpu.memory_space<hbm>>
    tpu.wait_dma2 semaphore(%arg6 : memref<!tpu.dma_semaphore, #tpu.memory_space<semaphore_mem>>) src(%dma_wait3A_624 : memref<65xf32, #tpu.memory_space<hbm>>) dst(%dma_wait3A_621 : memref<65xf32, #tpu.memory_space<hbm>>)
    return
  }
}

module attributes {stable_mosaic.version = 14 : i64} {
  func.func @_pair_body(%arg0: i32, %arg1: memref<2048x65xf32, #tpu.memory_space<vmem>>, %arg2: memref<2048x65xf32, #tpu.memory_space<vmem>>, %arg3: memref<1x1x2048xi32, #tpu.memory_space<vmem>>, %arg4: memref<1x64xf32, #tpu.memory_space<vmem>>, %arg5: memref<1xf32, #tpu.memory_space<smem>>, %arg6: memref<1xf32, #tpu.memory_space<smem>>, %arg7: memref<1x1x2048xf32, #tpu.memory_space<vmem>>) attributes {dimension_semantics = [#tpu.dimension_semantics<arbitrary>], iteration_bounds = array<i64: 8>, scalar_prefetch = 0 : i64, scratch_operands = 0 : i64, tpu.core_type = #tpu.core_type<tc>, window_params = [{transform_indices = @transform_0, window_bounds = array<i64: 2048, 65>}, {transform_indices = @transform_1, window_bounds = array<i64: 2048, 65>}, {transform_indices = @transform_2, window_bounds = array<i64: 1, 1, 2048>}, {pipeline_mode = #tpu.pipeline_mode<synchronous>, transform_indices = @transform_3, window_bounds = array<i64: 1, 64>}, {transform_indices = @transform_4, window_bounds = array<i64: 1>}, {transform_indices = @transform_5, window_bounds = array<i64: 1>}, {transform_indices = @transform_6, window_bounds = array<i64: 1, 1, 2048>}]} {
    %get3A = arith.constant 0 : index
    %get3A_0 = arith.constant 0 : index
    %get3A_1 = vector.load %arg1[%get3A, %get3A_0] : memref<2048x65xf32, #tpu.memory_space<vmem>>, vector<2048x65xf32>
    %get3A_2 = arith.constant 0 : index
    %get3A_3 = arith.constant 0 : index
    %get3A_4 = vector.load %arg2[%get3A_2, %get3A_3] : memref<2048x65xf32, #tpu.memory_space<vmem>>, vector<2048x65xf32>
    %get3A_5 = arith.constant 0 : index
    %get3A_6 = arith.constant 0 : index
    %get3A_7 = arith.constant 0 : index
    %get3A_8 = vector.load %arg3[%get3A_5, %get3A_6, %get3A_7] : memref<1x1x2048xi32, #tpu.memory_space<vmem>>, vector<1x1x2048xi32>
    %get3A_9 = vector.shape_cast %get3A_8 : vector<1x1x2048xi32> to vector<2048xi32>
    %get3A_10 = arith.constant 0 : index
    %get3A_11 = arith.constant 0 : index
    %get3A_12 = vector.load %arg4[%get3A_10, %get3A_11] : memref<1x64xf32, #tpu.memory_space<vmem>>, vector<1x64xf32>
    %get3A_13 = vector.shape_cast %get3A_12 : vector<1x64xf32> to vector<64xf32>
    %get3A_14 = arith.constant 0 : index
    %get3A_15 = memref.load %arg5[%get3A_14] : memref<1xf32, #tpu.memory_space<smem>>
    %get3A_16 = arith.constant 0 : index
    %get3A_17 = memref.load %arg6[%get3A_16] : memref<1xf32, #tpu.memory_space<smem>>
    %mul3A = arith.mulf %get3A_1, %get3A_4 : vector<2048x65xf32>
    %reduce_sum3A = arith.constant dense<0.000000e+00> : vector<2048xf32>
    %reduce_sum3A_18 = vector.multi_reduction <add>, %mul3A, %reduce_sum3A [1] : vector<2048x65xf32> to vector<2048xf32>
    %slice3A = vector.extract_strided_slice %mul3A {offsets = [0, 0], sizes = [2048, 1], strides = [1, 1]} : vector<2048x65xf32> to vector<2048x1xf32>
    %squeeze3A = vector.shape_cast %slice3A : vector<2048x1xf32> to vector<2048xf32>
    %mul3A_19 = arith.constant 2.000000e+00 : f32
    %mul3A_20 = vector.broadcast %mul3A_19 : f32 to vector<2048xf32>
    %mul3A_21 = arith.mulf %mul3A_20, %squeeze3A : vector<2048xf32>
    %sub3A = arith.subf %reduce_sum3A_18, %mul3A_21 : vector<2048xf32>
    %neg3A = arith.constant 0.000000e+00 : f32
    %neg3A_22 = vector.broadcast %neg3A : f32 to vector<2048xf32>
    %neg3A_23 = arith.subf %neg3A_22, %sub3A : vector<2048xf32>
    %max3A = arith.constant 1.00000012 : f32
    %max3A_24 = vector.broadcast %max3A : f32 to vector<2048xf32>
    %max3A_25 = arith.maximumf %neg3A_23, %max3A_24 : vector<2048xf32>
    %sub3A_26 = arith.constant 1.000000e+00 : f32
    %sub3A_27 = vector.broadcast %sub3A_26 : f32 to vector<2048xf32>
    %sub3A_28 = arith.subf %max3A_25, %sub3A_27 : vector<2048xf32>
    %add3A = arith.constant 1.000000e+00 : f32
    %add3A_29 = vector.broadcast %add3A : f32 to vector<2048xf32>
    %add3A_30 = arith.addf %max3A_25, %add3A_29 : vector<2048xf32>
    %mul3A_31 = arith.mulf %sub3A_28, %add3A_30 : vector<2048xf32>
    %sqrt3A = math.sqrt %mul3A_31 : vector<2048xf32>
    %add3A_32 = arith.addf %max3A_25, %sqrt3A : vector<2048xf32>
    %log3A = math.log %add3A_32 : vector<2048xf32>
    %mul3A_33 = vector.broadcast %get3A_15 : f32 to vector<2048xf32>
    %mul3A_34 = arith.mulf %mul3A_33, %log3A : vector<2048xf32>
    %sub3A_35 = vector.broadcast %get3A_17 : f32 to vector<2048xf32>
    %sub3A_36 = arith.subf %mul3A_34, %sub3A_35 : vector<2048xf32>
    %eq3A = arith.constant 1 : i32
    %eq3A_37 = vector.broadcast %eq3A : i32 to vector<2048xi32>
    %eq3A_38 = arith.cmpi eq, %get3A_9, %eq3A_37 : vector<2048xi32>
    %neg3A_39 = arith.constant 0.000000e+00 : f32
    %neg3A_40 = vector.broadcast %neg3A_39 : f32 to vector<2048xf32>
    %neg3A_41 = arith.subf %neg3A_40, %sub3A_36 : vector<2048xf32>
    %select_n3A = arith.select %eq3A_38, %sub3A_36, %neg3A_41 : vector<2048xi1>, vector<2048xf32>
    %max3A_42 = arith.constant 0.000000e+00 : f32
    %max3A_43 = vector.broadcast %max3A_42 : f32 to vector<2048xf32>
    %max3A_44 = arith.maximumf %select_n3A, %max3A_43 : vector<2048xf32>
    %abs3A = math.absf %select_n3A : vector<2048xf32>
    %neg3A_45 = arith.constant 0.000000e+00 : f32
    %neg3A_46 = vector.broadcast %neg3A_45 : f32 to vector<2048xf32>
    %neg3A_47 = arith.subf %neg3A_46, %abs3A : vector<2048xf32>
    %exp3A = math.exp %neg3A_47 : vector<2048xf32>
    %log1p3A = math.log1p %exp3A : vector<2048xf32>
    %add3A_48 = arith.addf %max3A_44, %log1p3A : vector<2048xf32>
    %div3A = arith.constant 1.000000e+00 : f32
    %div3A_49 = vector.broadcast %div3A : f32 to vector<64xf32>
    %div3A_50 = arith.divf %div3A_49, %get3A_13 : vector<64xf32>
    %broadcast_in_dim3A = vector.shape_cast %div3A_50 : vector<64xf32> to vector<1x64xf32>
    %log3A_51 = math.log %get3A_13 : vector<64xf32>
    %reduce_sum3A_52 = vector.shape_cast %log3A_51 : vector<64xf32> to vector<1x64xf32>
    %reduce_sum3A_53 = arith.constant dense<0.000000e+00> : vector<1xf32>
    %reduce_sum3A_54 = vector.multi_reduction <add>, %reduce_sum3A_52, %reduce_sum3A_53 [1] : vector<1x64xf32> to vector<1xf32>
    %reduce_sum3A_55 = vector.shape_cast %reduce_sum3A_54 : vector<1xf32> to vector<1x1xf32>
    %reduce_sum3A_56 = vector.extract %reduce_sum3A_55[0, 0] : f32 from vector<1x1xf32>
    %slice3A_57 = vector.extract_strided_slice %get3A_1 {offsets = [0, 0], sizes = [2048, 1], strides = [1, 1]} : vector<2048x65xf32> to vector<2048x1xf32>
    %squeeze3A_58 = vector.shape_cast %slice3A_57 : vector<2048x1xf32> to vector<2048xf32>
    %slice3A_59 = vector.extract_strided_slice %get3A_1 {offsets = [0, 1], sizes = [2048, 64], strides = [1, 1]} : vector<2048x65xf32> to vector<2048x64xf32>
    %max3A_60 = arith.constant 1.00000012 : f32
    %max3A_61 = vector.broadcast %max3A_60 : f32 to vector<2048xf32>
    %max3A_62 = arith.maximumf %squeeze3A_58, %max3A_61 : vector<2048xf32>
    %sub3A_63 = arith.constant 1.000000e+00 : f32
    %sub3A_64 = vector.broadcast %sub3A_63 : f32 to vector<2048xf32>
    %sub3A_65 = arith.subf %max3A_62, %sub3A_64 : vector<2048xf32>
    %add3A_66 = arith.constant 1.000000e+00 : f32
    %add3A_67 = vector.broadcast %add3A_66 : f32 to vector<2048xf32>
    %add3A_68 = arith.addf %max3A_62, %add3A_67 : vector<2048xf32>
    %mul3A_69 = arith.mulf %sub3A_65, %add3A_68 : vector<2048xf32>
    %sqrt3A_70 = math.sqrt %mul3A_69 : vector<2048xf32>
    %add3A_71 = arith.addf %max3A_62, %sqrt3A_70 : vector<2048xf32>
    %log3A_72 = math.log %add3A_71 : vector<2048xf32>
    %div3A_73 = arith.divf %log3A_72, %sqrt3A_70 : vector<2048xf32>
    %sub3A_74 = arith.subf %squeeze3A_58, %max3A_62 : vector<2048xf32>
    %mul3A_75 = arith.mulf %div3A_73, %sub3A_74 : vector<2048xf32>
    %broadcast_in_dim3A_76 = vector.shape_cast %div3A_73 : vector<2048xf32> to vector<2048x1xf32>
    %mul3A_77 = vector.broadcast %broadcast_in_dim3A_76 : vector<2048x1xf32> to vector<2048x64xf32>
    %mul3A_78 = arith.mulf %mul3A_77, %slice3A_59 : vector<2048x64xf32>
    %mul3A_79 = arith.mulf %mul3A_78, %mul3A_78 : vector<2048x64xf32>
    %mul3A_80 = vector.broadcast %broadcast_in_dim3A : vector<1x64xf32> to vector<2048x64xf32>
    %mul3A_81 = arith.mulf %mul3A_79, %mul3A_80 : vector<2048x64xf32>
    %reduce_sum3A_82 = arith.constant dense<0.000000e+00> : vector<2048xf32>
    %reduce_sum3A_83 = vector.multi_reduction <add>, %mul3A_81, %reduce_sum3A_82 [1] : vector<2048x64xf32> to vector<2048xf32>
    %mul3A_84 = arith.constant 5.000000e-01 : f32
    %mul3A_85 = vector.broadcast %mul3A_84 : f32 to vector<2048xf32>
    %mul3A_86 = arith.mulf %mul3A_85, %reduce_sum3A_83 : vector<2048xf32>
    %reduce_sum3A_87 = arith.constant dense<0.000000e+00> : vector<2048xf32>
    %reduce_sum3A_88 = vector.multi_reduction <add>, %mul3A_79, %reduce_sum3A_87 [1] : vector<2048x64xf32> to vector<2048xf32>
    %mul3A_89 = arith.mulf %mul3A_75, %mul3A_75 : vector<2048xf32>
    %sub3A_90 = arith.subf %reduce_sum3A_88, %mul3A_89 : vector<2048xf32>
    %max3A_91 = arith.constant 9.99999996E-13 : f32
    %max3A_92 = vector.broadcast %max3A_91 : f32 to vector<2048xf32>
    %max3A_93 = arith.maximumf %sub3A_90, %max3A_92 : vector<2048xf32>
    %sqrt3A_94 = math.sqrt %max3A_93 : vector<2048xf32>
    %max3A_95 = arith.constant 9.99999997E-7 : f32
    %max3A_96 = vector.broadcast %max3A_95 : f32 to vector<2048xf32>
    %max3A_97 = arith.maximumf %sqrt3A_94, %max3A_96 : vector<2048xf32>
    %log3A_98 = arith.constant 6.28318548 : f32
    %log3A_99 = math.log %log3A_98 : f32
    %mul3A_100 = arith.constant 3.200000e+01 : f32
    %mul3A_101 = arith.mulf %mul3A_100, %log3A_99 : f32
    %mul3A_102 = arith.constant 5.000000e-01 : f32
    %mul3A_103 = arith.mulf %mul3A_102, %reduce_sum3A_56 : f32
    %add3A_104 = arith.addf %mul3A_101, %mul3A_103 : f32
    %mul3A_105 = arith.constant -2.000000e+00 : f32
    %mul3A_106 = vector.broadcast %mul3A_105 : f32 to vector<2048xf32>
    %mul3A_107 = arith.mulf %mul3A_106, %max3A_97 : vector<2048xf32>
    %exp3A_108 = math.exp %mul3A_107 : vector<2048xf32>
    %sub3A_109 = arith.constant 1.000000e+00 : f32
    %sub3A_110 = vector.broadcast %sub3A_109 : f32 to vector<2048xf32>
    %sub3A_111 = arith.subf %sub3A_110, %exp3A_108 : vector<2048xf32>
    %log3A_112 = math.log %sub3A_111 : vector<2048xf32>
    %add3A_113 = arith.addf %log3A_112, %max3A_97 : vector<2048xf32>
    %log3A_114 = arith.constant 2.000000e+00 : f32
    %log3A_115 = math.log %log3A_114 : f32
    %sub3A_116 = vector.broadcast %log3A_115 : f32 to vector<2048xf32>
    %sub3A_117 = arith.subf %add3A_113, %sub3A_116 : vector<2048xf32>
    %log3A_118 = math.log %max3A_97 : vector<2048xf32>
    %sub3A_119 = arith.subf %sub3A_117, %log3A_118 : vector<2048xf32>
    %mul3A_120 = arith.constant 6.300000e+01 : f32
    %mul3A_121 = vector.broadcast %mul3A_120 : f32 to vector<2048xf32>
    %mul3A_122 = arith.mulf %mul3A_121, %sub3A_119 : vector<2048xf32>
    %add3A_123 = vector.broadcast %add3A_104 : f32 to vector<2048xf32>
    %add3A_124 = arith.addf %add3A_123, %mul3A_86 : vector<2048xf32>
    %add3A_125 = arith.addf %add3A_124, %mul3A_122 : vector<2048xf32>
    %slice3A_126 = vector.extract_strided_slice %get3A_4 {offsets = [0, 0], sizes = [2048, 1], strides = [1, 1]} : vector<2048x65xf32> to vector<2048x1xf32>
    %squeeze3A_127 = vector.shape_cast %slice3A_126 : vector<2048x1xf32> to vector<2048xf32>
    %slice3A_128 = vector.extract_strided_slice %get3A_4 {offsets = [0, 1], sizes = [2048, 64], strides = [1, 1]} : vector<2048x65xf32> to vector<2048x64xf32>
    %max3A_129 = arith.constant 1.00000012 : f32
    %max3A_130 = vector.broadcast %max3A_129 : f32 to vector<2048xf32>
    %max3A_131 = arith.maximumf %squeeze3A_127, %max3A_130 : vector<2048xf32>
    %sub3A_132 = arith.constant 1.000000e+00 : f32
    %sub3A_133 = vector.broadcast %sub3A_132 : f32 to vector<2048xf32>
    %sub3A_134 = arith.subf %max3A_131, %sub3A_133 : vector<2048xf32>
    %add3A_135 = arith.constant 1.000000e+00 : f32
    %add3A_136 = vector.broadcast %add3A_135 : f32 to vector<2048xf32>
    %add3A_137 = arith.addf %max3A_131, %add3A_136 : vector<2048xf32>
    %mul3A_138 = arith.mulf %sub3A_134, %add3A_137 : vector<2048xf32>
    %sqrt3A_139 = math.sqrt %mul3A_138 : vector<2048xf32>
    %add3A_140 = arith.addf %max3A_131, %sqrt3A_139 : vector<2048xf32>
    %log3A_141 = math.log %add3A_140 : vector<2048xf32>
    %div3A_142 = arith.divf %log3A_141, %sqrt3A_139 : vector<2048xf32>
    %sub3A_143 = arith.subf %squeeze3A_127, %max3A_131 : vector<2048xf32>
    %mul3A_144 = arith.mulf %div3A_142, %sub3A_143 : vector<2048xf32>
    %broadcast_in_dim3A_145 = vector.shape_cast %div3A_142 : vector<2048xf32> to vector<2048x1xf32>
    %mul3A_146 = vector.broadcast %broadcast_in_dim3A_145 : vector<2048x1xf32> to vector<2048x64xf32>
    %mul3A_147 = arith.mulf %mul3A_146, %slice3A_128 : vector<2048x64xf32>
    %mul3A_148 = arith.mulf %mul3A_147, %mul3A_147 : vector<2048x64xf32>
    %mul3A_149 = vector.broadcast %broadcast_in_dim3A : vector<1x64xf32> to vector<2048x64xf32>
    %mul3A_150 = arith.mulf %mul3A_148, %mul3A_149 : vector<2048x64xf32>
    %reduce_sum3A_151 = arith.constant dense<0.000000e+00> : vector<2048xf32>
    %reduce_sum3A_152 = vector.multi_reduction <add>, %mul3A_150, %reduce_sum3A_151 [1] : vector<2048x64xf32> to vector<2048xf32>
    %mul3A_153 = arith.constant 5.000000e-01 : f32
    %mul3A_154 = vector.broadcast %mul3A_153 : f32 to vector<2048xf32>
    %mul3A_155 = arith.mulf %mul3A_154, %reduce_sum3A_152 : vector<2048xf32>
    %reduce_sum3A_156 = arith.constant dense<0.000000e+00> : vector<2048xf32>
    %reduce_sum3A_157 = vector.multi_reduction <add>, %mul3A_148, %reduce_sum3A_156 [1] : vector<2048x64xf32> to vector<2048xf32>
    %mul3A_158 = arith.mulf %mul3A_144, %mul3A_144 : vector<2048xf32>
    %sub3A_159 = arith.subf %reduce_sum3A_157, %mul3A_158 : vector<2048xf32>
    %max3A_160 = arith.constant 9.99999996E-13 : f32
    %max3A_161 = vector.broadcast %max3A_160 : f32 to vector<2048xf32>
    %max3A_162 = arith.maximumf %sub3A_159, %max3A_161 : vector<2048xf32>
    %sqrt3A_163 = math.sqrt %max3A_162 : vector<2048xf32>
    %max3A_164 = arith.constant 9.99999997E-7 : f32
    %max3A_165 = vector.broadcast %max3A_164 : f32 to vector<2048xf32>
    %max3A_166 = arith.maximumf %sqrt3A_163, %max3A_165 : vector<2048xf32>
    %log3A_167 = arith.constant 6.28318548 : f32
    %log3A_168 = math.log %log3A_167 : f32
    %mul3A_169 = arith.constant 3.200000e+01 : f32
    %mul3A_170 = arith.mulf %mul3A_169, %log3A_168 : f32
    %mul3A_171 = arith.constant 5.000000e-01 : f32
    %mul3A_172 = arith.mulf %mul3A_171, %reduce_sum3A_56 : f32
    %add3A_173 = arith.addf %mul3A_170, %mul3A_172 : f32
    %mul3A_174 = arith.constant -2.000000e+00 : f32
    %mul3A_175 = vector.broadcast %mul3A_174 : f32 to vector<2048xf32>
    %mul3A_176 = arith.mulf %mul3A_175, %max3A_166 : vector<2048xf32>
    %exp3A_177 = math.exp %mul3A_176 : vector<2048xf32>
    %sub3A_178 = arith.constant 1.000000e+00 : f32
    %sub3A_179 = vector.broadcast %sub3A_178 : f32 to vector<2048xf32>
    %sub3A_180 = arith.subf %sub3A_179, %exp3A_177 : vector<2048xf32>
    %log3A_181 = math.log %sub3A_180 : vector<2048xf32>
    %add3A_182 = arith.addf %log3A_181, %max3A_166 : vector<2048xf32>
    %log3A_183 = arith.constant 2.000000e+00 : f32
    %log3A_184 = math.log %log3A_183 : f32
    %sub3A_185 = vector.broadcast %log3A_184 : f32 to vector<2048xf32>
    %sub3A_186 = arith.subf %add3A_182, %sub3A_185 : vector<2048xf32>
    %log3A_187 = math.log %max3A_166 : vector<2048xf32>
    %sub3A_188 = arith.subf %sub3A_186, %log3A_187 : vector<2048xf32>
    %mul3A_189 = arith.constant 6.300000e+01 : f32
    %mul3A_190 = vector.broadcast %mul3A_189 : f32 to vector<2048xf32>
    %mul3A_191 = arith.mulf %mul3A_190, %sub3A_188 : vector<2048xf32>
    %add3A_192 = vector.broadcast %add3A_173 : f32 to vector<2048xf32>
    %add3A_193 = arith.addf %add3A_192, %mul3A_155 : vector<2048xf32>
    %add3A_194 = arith.addf %add3A_193, %mul3A_191 : vector<2048xf32>
    %add3A_195 = arith.addf %add3A_125, %add3A_194 : vector<2048xf32>
    %mul3A_196 = arith.constant 1.00000102E-6 : f32
    %mul3A_197 = vector.broadcast %mul3A_196 : f32 to vector<2048xf32>
    %mul3A_198 = arith.mulf %add3A_195, %mul3A_197 : vector<2048xf32>
    %add3A_199 = arith.addf %add3A_48, %mul3A_198 : vector<2048xf32>
    %swap3A = arith.constant 0 : index
    %swap3A_200 = arith.constant 0 : index
    %swap3A_201 = arith.constant 0 : index
    %swap3A_202 = vector.load %arg7[%swap3A, %swap3A_200, %swap3A_201] : memref<1x1x2048xf32, #tpu.memory_space<vmem>>, vector<1x1x2048xf32>
    %swap3A_203 = vector.shape_cast %swap3A_202 : vector<1x1x2048xf32> to vector<2048xf32>
    %swap3A_204 = vector.shape_cast %add3A_199 : vector<2048xf32> to vector<1x1x2048xf32>
    tpu.vector_store %arg7[%swap3A, %swap3A_200, %swap3A_201], %swap3A_204 {strides = array<i32>} : memref<1x1x2048xf32, #tpu.memory_space<vmem>>, vector<1x1x2048xf32>,
    return
  }
  func.func @transform_0(%arg0: i32) -> (i32, i32) {
    %c0_i32 = arith.constant 0 : i32
    %c0_i32_0 = arith.constant 0 : i32
    return %arg0, %c0_i32 : i32, i32
  }
  func.func @transform_1(%arg0: i32) -> (i32, i32) {
    %add3A = arith.constant 8 : i32
    %add3A_0 = arith.addi %arg0, %add3A : i32
    %c0_i32 = arith.constant 0 : i32
    %c0_i32_1 = arith.constant 0 : i32
    return %add3A_0, %c0_i32 : i32, i32
  }
  func.func @transform_2(%arg0: i32) -> (i32, i32, i32) {
    %c0_i32 = arith.constant 0 : i32
    %c0_i32_0 = arith.constant 0 : i32
    %c0_i32_1 = arith.constant 0 : i32
    return %arg0, %c0_i32, %c0_i32_0 : i32, i32, i32
  }
  func.func @transform_3(%arg0: i32) -> (i32, i32) {
    %c0_i32 = arith.constant 0 : i32
    %c0_i32_0 = arith.constant 0 : i32
    %c0_i32_1 = arith.constant 0 : i32
    return %c0_i32, %c0_i32_0 : i32, i32
  }
  func.func @transform_4(%arg0: i32) -> i32 {
    %c0_i32 = arith.constant 0 : i32
    %c0_i32_0 = arith.constant 0 : i32
    return %c0_i32 : i32
  }
  func.func @transform_5(%arg0: i32) -> i32 {
    %c0_i32 = arith.constant 0 : i32
    %c0_i32_0 = arith.constant 0 : i32
    return %c0_i32 : i32
  }
  func.func @transform_6(%arg0: i32) -> (i32, i32, i32) {
    %c0_i32 = arith.constant 0 : i32
    %c0_i32_0 = arith.constant 0 : i32
    %c0_i32_1 = arith.constant 0 : i32
    return %arg0, %c0_i32, %c0_i32_0 : i32, i32, i32
  }
}

</mosaic_0001>

<sc_bundles>
// kernel: kernel.4.cloned.1.call-start
scs
__scs_entry_jumppad:
0x0: {  	(pc) =	sbr.rel $0x88, $3  }
0x1: {  	(tag) =	ssettag $0x0;
	lr =	simm.s32 $0x1  }
0x2: {  	[smem:$0x3F9B] =	sst lr;
	_ =	strace $0xD0000000  }
0x3: {  	_ = 	snop  }
0x4: {  	_ = 	snop  }
0x5: {  	_ = 	snop  }
0x6: {  	_ = 	snop  }
0x7: {  	_ = 	snop  }
__scs_overlays_trampoline_lowered:
0x8: {  	[smem:$0x3FAA] =	sst s0  }
0x9: {  	[smem:$0x3FAB] =	sst s1  }
0xa: {  	[smem:$0x3FAC] =	sst s2  }
0xb: {  	[smem:$0x3FAD] =	sst s3  }
0xc: {  	[smem:$0x3FAE] =	sst s4  }
0xd: {  	[smem:$0x3FAF] =	sst s5  }
0xe: {  	[smem:$0x3FB0] =	sst s6  }
0xf: {  	[smem:$0x3FB1] =	sst s7  }
0x10: {  	[smem:$0x3FB2] =	sst s8  }
0x11: {  	[smem:$0x3FB3] =	sst s9;
	s0 =	simm.s32 @!p0 $0x0  }
0x12: {  	s1 =	sld [smem:$0x3F99];
	s0 =	simm.s32 @p0 $0x1  }
0x13: {  	[smem:$0x3FB4] =	sst s0;
	s0 =	simm.s32 @!p1 $0x0  }
0x14: {  	s2 =	sld [smem:$0x3F98];
	s0 =	simm.s32 @p1 $0x1  }
0x15: {  	[smem:$0x3FB5] =	sst s0;
	s0 =	simm.s32 @!p2 $0x0  }
0x16: {  	s3 =	sld [smem:$0x3FDB];
	s0 =	simm.s32 @p2 $0x1  }
0x17: {  	s4 =	simm.s32 $0x1BF5;
	[smem:$0x3FB7] =	sst s0  }
0x18: {  	s0 =	sld [smem:$0x3F9A];
	_ =	swait.ge [sflag:s4], $0x0  }
0x19: {  	s7 =	sld [smem:$0x3F9B]  }
0x1a: {  	s8 =	sadd.s32 $0xFFFFE003, lr  }
0x1b: {  	s9 =	sadd.s32 $0xFFFFFEF7, lr;
	s5 =	simm.s32 $0xFFFFFFFF;
	p2 =	slt.u32 s8, $0xFFFFF086  }
0x1c: {  	p1 =	slt.u32 s9, $0xF7A;
	s5 =	simm.s32 @!p2 $0x0  }
0x1d: {  	s5 =	simm.s32 @p1 $0x1;
	p0 =	seq.s32 s7, s2  }
0x1e: {  	s7 =	smul.u32 @!p0 $0xF7A, s2;
	p2 =	seq.s32 @!p0 s5, $0x0  }
0x1f: {  	s9 =	smul.u32 $0xF7A, s1;
	s8 =	simm.s32 @!p0 $0x1BF5;
	p2 =	por !p2, p0  }
0x20: {  	[sflag:s8] =	ssyncset.s32 @!p0 $0xFFFFF086;
	s6 =	sadd.s32 @!p0 s3, s7;
	s7 =	simm.s32 @!p0 $0x108  }
0x21: {  	s3 =	sadd.s32 s3, s9;
	s6 =	sadd.s32 @!p0 $0x88, s6;
	s7 =	simm.s32 @p2 $0x1082  }
0x22: {  	[simem:s7], [sflag:s8] =	dma.local @!p0 [hbm:s6], $0xF7A  }
0x23: {  	s9 =	sor.u32 $0xD0000000, s2;
	s6 =	simm.s32 $0x108;
	_ =	swait.ge @!p0 [sflag:s8], $0x0  }
0x24: {  	s3 =	sadd.s32 $0x88, s3;
	s6 =	simm.s32 @!p1 $0x1082;
	[sflag:s4] =	ssyncset.s32 $0xFFFFF086  }
0x25: {  	[simem:s6], [sflag:s4] =	dma.local [hbm:s3], $0xF7A  }
0x26: {  	[smem:$0x3F9B] =	sst s1;
	(tag) =	ssettag s2;
	_ =	strace s9  }
0x27: {  	s1 =	sld [smem:$0x3FAB]  }
0x28: {  	s2 =	sld [smem:$0x3FAC]  }
0x29: {  	s4 =	sld [smem:$0x3FAE]  }
0x2a: {  	p0 =	seq.s32 s5, $0x0;
	s5 =	sld [smem:$0x3FAF]  }
0x2b: {  	s6 =	sld [smem:$0x3FB0]  }
0x2c: {  	s7 =	sld [smem:$0x3FB1]  }
0x2d: {  	s3 =	simm.s32 $0x108;
	s8 =	sld [smem:$0x3FB2]  }
0x2e: {  	s3 =	simm.s32 @!p0 $0x1082;
	s9 =	sld [smem:$0x3FB3]  }
0x2f: {  	lr =	sadd.s32 s0, s3;
	s0 =	sld [smem:$0x3FAA]  }
0x30: {  	s3 =	sld [smem:$0x3FAD]  }
0x31: {  	[smem:$0x3FB6] =	sst s10  }
0x32: {  	s10 =	sld [smem:$0x3FB4];
	_ =	sdelay $0x3  }
0x33: {  	p0 =	seq.s32 s10, $0x1;
	s10 =	sld [smem:$0x3FB6];
	_ =	sdelay $0x3  }
0x34: {  	[smem:$0x3FB6] =	sst s10  }
0x35: {  	s10 =	sld [smem:$0x3FB5];
	_ =	sdelay $0x3  }
0x36: {  	p1 =	seq.s32 s10, $0x1;
	s10 =	sld [smem:$0x3FB6];
	_ =	sdelay $0x3  }
0x37: {  	[smem:$0x3FB6] =	sst s10  }
0x38: {  	s10 =	sld [smem:$0x3FB7]  }
0x39: {  	_ = 	snop;
	(pc) =	sbr.ind lr, $3  }
0x3a: {  	_ = 	snop  }
0x3b: {  	_ = 	snop  }
0x3c: {  	p2 =	seq.s32 s10, $0x1;
	s10 =	sld [smem:$0x3FB6]  }
0x3d: {  	_ =	shalt  }
0x3e: {  	_ =	shalt  }
0x3f: {  	_ =	shalt  }
0x40: {  	_ =	shalt  }
0x41: {  	_ =	shalt  }
0x42: {  	_ =	shalt  }
0x43: {  	_ =	shalt  }
0x44: {  	_ =	shalt  }
0x45: {  	_ =	shalt  }
0x46: {  	_ =	shalt  }
0x47: {  	_ =	shalt  }
0x48: {  	_ =	shalt  }
0x49: {  	_ =	shalt  }
0x4a: {  	_ =	shalt  }
0x4b: {  	_ =	shalt  }
0x4c: {  	_ =	shalt  }
0x4d: {  	_ =	shalt  }
0x4e: {  	_ =	shalt  }
0x4f: {  	_ =	shalt  }
0x50: {  	_ =	shalt  }
0x51: {  	_ =	shalt  }
0x52: {  	_ =	shalt  }
0x53: {  	_ =	shalt  }
0x54: {  	_ =	shalt  }
0x55: {  	_ =	shalt  }
0x56: {  	_ =	shalt  }
0x57: {  	_ =	shalt  }
0x58: {  	_ =	shalt  }
0x59: {  	_ =	shalt  }
0x5a: {  	_ =	shalt  }
0x5b: {  	_ =	shalt  }
0x5c: {  	_ =	shalt  }
0x5d: {  	_ =	shalt  }
0x5e: {  	_ =	shalt  }
0x5f: {  	_ =	shalt  }
0x60: {  	_ =	shalt  }
0x61: {  	_ =	shalt  }
0x62: {  	_ =	shalt  }
0x63: {  	_ =	shalt  }
0x64: {  	_ =	shalt  }
0x65: {  	_ =	shalt  }
0x66: {  	_ =	shalt  }
0x67: {  	_ =	shalt  }
0x68: {  	_ =	shalt  }
0x69: {  	_ =	shalt  }
0x6a: {  	_ =	shalt  }
0x6b: {  	_ =	shalt  }
0x6c: {  	_ =	shalt  }
0x6d: {  	_ =	shalt  }
0x6e: {  	_ =	shalt  }
0x6f: {  	_ =	shalt  }
0x70: {  	_ =	shalt  }
0x71: {  	_ =	shalt  }
0x72: {  	_ =	shalt  }
0x73: {  	_ =	shalt  }
0x74: {  	_ =	shalt  }
0x75: {  	_ =	shalt  }
0x76: {  	_ =	shalt  }
0x77: {  	_ =	shalt  }
0x78: {  	_ =	shalt  }
0x79: {  	_ =	shalt  }
0x7a: {  	_ =	shalt  }
0x7b: {  	_ =	shalt  }
0x7c: {  	_ =	shalt  }
0x7d: {  	_ =	shalt  }
0x7e: {  	_ =	shalt  }
0x7f: {  	_ =	shalt  }
0x80: {  	_ =	shalt  }
0x81: {  	_ =	shalt  }
0x82: {  	_ =	shalt  }
0x83: {  	_ =	shalt  }
0x84: {  	_ =	shalt  }
0x85: {  	_ =	shalt  }
0x86: {  	_ =	shalt  }
0x87: {  	_ =	shalt  }
.Lfunc_end0:
.L_simem_size_0:
called_computation_lowered:
.L_overlay_start_0:
0x88: {  	s2 =	sld [smem:$0x3FD9]  }
0x89: {  	s3 =	sld [smem:$0x3FFE];
	_ =	sdelay $0x1  }
0x8a: {  	s1 =	srdreg.scid  }
0x8b: {  	s0 =	sand.u32 $0x1, s1  }
0x8c: {  	s16 =	sshll.u32 s0, $0xA;
	s2 =	sadd.s32 s3, s2  }
0x8d: {  	s2 =	sadd.s32 s2, s16  }
0x8e: {  	[smem:$0x3FC2] =	sst s2  }
0x8f: {  	_ = 	snop  }
0x90: {  	(tm) =	ssettm $0x1  }
0x91: {  	s17 =	sld [smem:$0x3FFB];
	_ =	sdelay $0x3  }
0x92: {  	_ =	strace s17  }
0x93: {  	s2 =	sld [smem:$0x3FFC];
	_ =	sdelay $0x3  }
0x94: {  	_ =	strace s2  }
0x95: {  	s2 =	sld [smem:$0x3FFD];
	_ =	sdelay $0x3  }
0x96: {  	_ =	strace s2  }
0x97: {  	_ =	strace $0x8FFFFFFF  }
0x98: {  	s18 =	sld [smem:$0x3FDB];
	_ =	sdelay $0x1  }
0x99: {  	s19 =	simm.s32 $_scs_section_size  }
0x9a: {  	s4 =	simm.s32 $_size__tile_overlayer_lowered;
	s5 =	simm.s32 $_tile_overlayer_lowered  }
0x9b: {  	s22 =	simm.s32 $0x1BFF;
	s21 =	sshll.u32 s5, $0x1;
	s2 =	sadd.s32 s19, s18  }
0x9c: {  	s6 =	simm.s32 $0x0;
	s20 =	sshll.u32 s4, $0x1;
	s4 =	sadd.s32 s21, s2  }
0x9d: {  	[timem:s6], [sflag:s22] =	dma.local [hbm:s4], s20  }
0x9e: {  	_ =	swait.ge [sflag:s22], s20  }
0x9f: {  	s3 =	ssub.s32 $0x0, s20;
	[sflag:s22] =	ssyncset.done $0x0  }
0xa0: {  	[sflag:s22] =	ssyncadd.s32 s3;
	_ =	sdelay $0x1  }
0xa1: {  	s23 =	simm.s32 $0x1B8B  }
0xa2: {  	_ =	swait.ge [sflag:s23], $0x1  }
0xa3: {  	[sflag:s23] =	ssyncset.done $0x0  }
0xa4: {  	s25 =	simm.s32 $0x1B8E;
	s24 =	sld [smem:$0x3FFE];
	[sflag:s23] =	ssyncadd.s32 $0xFFFFFFFF  }
0xa5: {  	s26 =	simm.s32 $execute0_lowered;
	[smem:$0x3FD2] =	sst s25  }
0xa6: {  	s4 =	sshll.u32 s26, $0x1;
	_ =	strace $0x80000046;
	[dreg:$0x1] =	wrdreg $0xFFFFFFFF  }
0xa7: {  	s28 =	simm.s32 $_size_execute0_lowered;
	s2 =	sadd.s32 s2, s4;
	[dreg:$0x0] =	wrdreg $0x0  }
0xa8: {  	s4 =	sshll.u32 s28, $0x1;
	[dreg:$0x2] =	wrdreg s2  }
0xa9: {  	[dreg:$0x3] =	wrdreg s4  }
0xaa: {  	[dreg:$0x4] =	wrdreg $0xC0  }
0xab: {  	_ =	task [dreg:s6], $0x5FFFF  }
0xac: {  	[dreg:$0x1] =	wrdreg $0xFFFFFFFF  }
0xad: {  	[dreg:$0x0] =	wrdreg $0x60  }
0xae: {  	[dreg:$0x2] =	wrdreg s24  }
0xaf: {  	[dreg:$0x3] =	wrdreg $0x9  }
0xb0: {  	_ =	task.clear_ibuf [dreg:s6], $0x4FFFF;
	_ =	strace $0x90000046  }
0xb1: {  	s29 =	simm.s32 $0x9;
	_ =	strace $0x80000048  }
0xb2: {  	_ =	swait.ge [sflag:s29], $0x1  }
0xb3: {  	[sflag:s29] =	ssyncadd.s32 $0xFFFFFFFF  }
0xb4: {  	_ =	strace $0x90000048  }
0xb5: {  	_ =	sfence  }
0xb6: {  	s30 =	sld [smem:$0x0];
	_ =	sdelay $0x2  }
0xb7: {  	s31 =	sshll.u32 s1, $0xD;
	s1 =	sshrl.u32 s1, $0x2  }
0xb8: {  	s3 =	sand.u32 $0x4000, s31;
	s1 =	sadd.s32 s1, s30  }
0xb9: {  	s0 =	sor.u32 s3, s0;
	s1 =	sshll.u32 s1, $0x11  }
0xba: {  	s0 =	sor.u32 s1, s0  }
0xbb: {  	s0 =	sadd.s32 $0x8F2B, s0  }
0xbc: {  	[sflag:s0] =	ssyncadd.remote.s32 $0x1  }
0xbd: {  	_ =	sfence.sel $0xFFFF  }
0xbe: {  	[dreg:$0x0] =	wrdreg $0xFFFFFFFF;
	(pc) =	sbr.abs _section_cstart, $3  }
0xbf: {  	[dreg:$0x1] =	wrdreg $0xFFFFFFFF  }
0xc0: {  	_ =	task.clear_ibuf [dreg:s6], $0x2FFFF;
	_ =	strace $0x9FFFFFFF  }
0xc1: {  	(tm) =	ssettm $0x7FFFFFFF  }
tec
execute0_lowered:
.L_overlay_start_1:
0x0: {  	(tag) =	ssettag $0x1  }
0x1: {  	s0 =	srdreg.scid  }
0x2: {  	s8 =	stileid.u32;
	s2 =	rddreg [dreg:$0x0]  }
0x3: {  	s5 =	simm.s32 $0x0;
	s0 =	sand.u32 $0x1, s0;
	s1 =	sshll.u32 s8, $0x1  }
0x4: {  	s3 =	sshll.u32 s8, $0xB;
	[smem:$0x7FF] =	sst s5;
	s20 =	sadd.s32 $0xF44200, s2  }
0x5: {  	s9 =	sshll.u32 s8, $0xF;
	s1 =	sor.u32 s0, s1;
	_ =	strace $0x80000047  }
0x6: {  	s6 =	ssub.s32 $0x2, s0;
	s0 =	sshll.u32 s0, $0xE;
	s4 =	sshll.u32 s1, $0x7  }
0x7: {  	s1 =	sshll.u32 s1, $0xE;
	s7 =	sshrl.u32 s6, $0x1;
	s0 =	sor.u32 s0, s9  }
0x8: {  	s3 =	sor.u32 s4, s3;
	s21 =	ssub.s32 s6, s7;
	s0 =	sadd.s32 s0, s20  }
0x9: {  	s4 =	sand.u32 $0x6380, s3;
	s3 =	sadd.s32 $0xE00, s2;
	s0 =	sadd.s32 $0x200, s0  }
0xa: {  	s18 =	smax.u32 s21, $0x1;
	s4 =	sshrl.u32 s4, $0x3;
	[dreg:$0x2] =	wrdreg s0  }
0xb: {  	[dreg:$0x1e] =	wrdreg s18;
	s2 =	sadd.s32 s4, s2;
	s4 =	sadd.s32 s20, s1  }
0xc: {  	s2 =	sadd.s32 $0xF43200, s2;
	[dreg:$0x9] =	wrdreg s4  }
0xd: {  	s22 =	sadd.s32 $0x10, s4;
	[dreg:$0xa] =	wrdreg s2  }
0xe: {  	s23 =	sadd.s32 $0x20, s4;
	[dreg:$0xb] =	wrdreg s22  }
0xf: {  	s24 =	sadd.s32 $0x30, s4;
	[dreg:$0xc] =	wrdreg s23  }
0x10: {  	s25 =	sadd.s32 $0x40, s4;
	[dreg:$0xd] =	wrdreg s24  }
0x11: {  	s26 =	sadd.s32 $0x50, s4;
	[dreg:$0xe] =	wrdreg s25  }
0x12: {  	s28 =	sadd.s32 $0x60, s4;
	[dreg:$0xf] =	wrdreg s26  }
0x13: {  	s29 =	sadd.s32 $0x70, s4;
	[dreg:$0x10] =	wrdreg s28  }
0x14: {  	s30 =	sadd.s32 $0x80, s4;
	[dreg:$0x11] =	wrdreg s29  }
0x15: {  	s31 =	sadd.s32 $0x90, s4;
	[dreg:$0x12] =	wrdreg s30  }
0x16: {  	s6 =	sadd.s32 $0xA0, s4;
	[dreg:$0x13] =	wrdreg s31  }
0x17: {  	s7 =	sadd.s32 $0xB0, s4;
	[dreg:$0x14] =	wrdreg s6  }
0x18: {  	s10 =	sadd.s32 $0xC0, s4;
	[dreg:$0x15] =	wrdreg s7  }
0x19: {  	s11 =	sadd.s32 $0xD0, s4;
	[dreg:$0x16] =	wrdreg s10  }
0x1a: {  	s12 =	sadd.s32 $0xE0, s4;
	[dreg:$0x17] =	wrdreg s11  }
0x1b: {  	s13 =	sadd.s32 $0xF0, s4;
	[dreg:$0x18] =	wrdreg s12  }
0x1c: {  	s14 =	sadd.s32 $0x100, s4;
	[dreg:$0x19] =	wrdreg s13  }
0x1d: {  	s15 =	sadd.s32 $0x110, s4;
	[dreg:$0x1a] =	wrdreg s14  }
0x1e: {  	s16 =	sadd.s32 $0x120, s4;
	[dreg:$0x1b] =	wrdreg s15  }
0x1f: {  	s17 =	sadd.s32 $0x130, s4;
	[dreg:$0x1c] =	wrdreg s16  }
0x20: {  	s19 =	sadd.s32 $0x140, s4;
	[dreg:$0x1d] =	wrdreg s17  }
0x21: {  	s20 =	sadd.s32 $0x150, s4;
	[dreg:$0x1f] =	wrdreg s19  }
0x22: {  	s21 =	sadd.s32 $0x160, s4;
	[smem:$0x7F3] =	sst s20  }
0x23: {  	[smem:$0x7F4] =	sst s21;
	s22 =	sadd.s32 $0x170, s4  }
0x24: {  	s23 =	sadd.s32 $0x180, s4;
	[smem:$0x7F5] =	sst s22  }
0x25: {  	s24 =	sadd.s32 $0x190, s4;
	[smem:$0x7F6] =	sst s23  }
0x26: {  	s25 =	sadd.s32 $0x1A0, s4;
	[smem:$0x7F7] =	sst s24  }
0x27: {  	s26 =	sadd.s32 $0x1B0, s4;
	[smem:$0x7F8] =	sst s25  }
0x28: {  	s28 =	sadd.s32 $0x1C0, s4;
	[smem:$0x7F9] =	sst s26  }
0x29: {  	s29 =	sadd.s32 $0x1D0, s4;
	[smem:$0x7FA] =	sst s28  }
0x2a: {  	s30 =	sadd.s32 $0x1E0, s4;
	[smem:$0x7FB] =	sst s29  }
0x2b: {  	s31 =	sadd.s32 $0x1F0, s4;
	[smem:$0x7FC] =	sst s30  }
0x2c: {  	s1 =	simm.s32 $0x0;
	s10 =	simm.s32 $0x1;
	[smem:$0x7FD] =	sst s31  }
.LBB2_1:
0x2d: {  	[smem:$0x7F2] =	sst s1  }
0x2e: {  	s0 =	simm.s32 $0x0;
	s11 =	rddreg [dreg:$0xa]  }
0x2f: {  	s2 =	simm.s32 $0x80;
	s4 =	simm.s32 $0x400;
	s12 =	simm.s32 $0x2  }
0x30: {  	[tilespmem:s0], [sflag:$0x2] =	stream.strided.gather [hbm4b:s11+s2], $0x400, s4, s2, $0x38;
	[tilespmem:$0x400] =	vst v63  }
0x31: {  	_ =	swait.ge [sflag:s12], $0x400  }
0x32: {  	[sflag:s12] =	ssyncset.done $0x0  }
0x33: {  	[sflag:s12] =	ssyncadd.s32 $0xFFFFFC00  }
0x34: {  	v0 =	vld [tilespmem:$0x0];
	_ =	sdelay $0x4  }
0x35: {  	v0 =	vshll.u32 v0, $0x4  }
0x36: {  	(v2sf) =	vpush v0, $0x0;
	_ =	sdelay $0xe  }
0x37: {  	s14 =	stileid.u32;
	s13 =	spop (v2sf)  }
0x38: {  	s12 =	sshll.u32 s14, $0x6;
	s1 =	sand.u32 $0x1FFFFFF0, s13  }
0x39: {  	s15 =	rddreg [dreg:$0x9];
	s12 =	sor.u32 $0x1C01, s12;
	s1 =	sadd.s32 s3, s1  }
0x3a: {  	[hbm:s15], [sflag:s12] =	dma.local [hbm:s1], $0x10  }
0x3b: {  	(v2sf) =	vpush v0, $0x1;
	_ =	sdelay $0xe  }
0x3c: {  	s1 =	spop (v2sf)  }
0x3d: {  	s1 =	sand.u32 $0x1FFFFFF0, s1  }
0x3e: {  	s0 =	rddreg [dreg:$0xb];
	s1 =	sadd.s32 s3, s1  }
0x3f: {  	[hbm:s0], [sflag:s12] =	dma.local [hbm:s1], $0x10  }
0x40: {  	(v2sf) =	vpush v0, $0x2;
	_ =	sdelay $0xe  }
0x41: {  	s1 =	spop (v2sf)  }
0x42: {  	s1 =	sand.u32 $0x1FFFFFF0, s1  }
0x43: {  	s0 =	rddreg [dreg:$0xc];
	s1 =	sadd.s32 s3, s1  }
0x44: {  	[hbm:s0], [sflag:s12] =	dma.local [hbm:s1], $0x10  }
0x45: {  	(v2sf) =	vpush v0, $0x3;
	_ =	sdelay $0xe  }
0x46: {  	s1 =	spop (v2sf)  }
0x47: {  	s1 =	sand.u32 $0x1FFFFFF0, s1  }
0x48: {  	s0 =	rddreg [dreg:$0xd];
	s1 =	sadd.s32 s3, s1  }
0x49: {  	[hbm:s0], [sflag:s12] =	dma.local [hbm:s1], $0x10  }
0x4a: {  	(v2sf) =	vpush v0, $0x4;
	_ =	sdelay $0xe  }
0x4b: {  	s1 =	spop (v2sf)  }
0x4c: {  	s1 =	sand.u32 $0x1FFFFFF0, s1  }
0x4d: {  	s0 =	rddreg [dreg:$0xe];
	s1 =	sadd.s32 s3, s1  }
0x4e: {  	[hbm:s0], [sflag:s12] =	dma.local [hbm:s1], $0x10  }
0x4f: {  	(v2sf) =	vpush v0, $0x5;
	_ =	sdelay $0xe  }
0x50: {  	s1 =	spop (v2sf)  }
0x51: {  	s1 =	sand.u32 $0x1FFFFFF0, s1  }
0x52: {  	s0 =	rddreg [dreg:$0xf];
	s1 =	sadd.s32 s3, s1  }
0x53: {  	[hbm:s0], [sflag:s12] =	dma.local [hbm:s1], $0x10  }
0x54: {  	(v2sf) =	vpush v0, $0x6;
	_ =	sdelay $0xe  }
0x55: {  	s1 =	spop (v2sf)  }
0x56: {  	s1 =	sand.u32 $0x1FFFFFF0, s1  }
0x57: {  	s0 =	rddreg [dreg:$0x10];
	s1 =	sadd.s32 s3, s1  }
0x58: {  	[hbm:s0], [sflag:s12] =	dma.local [hbm:s1], $0x10  }
0x59: {  	(v2sf) =	vpush v0, $0x7;
	_ =	sdelay $0xe  }
0x5a: {  	s1 =	spop (v2sf)  }
0x5b: {  	s1 =	sand.u32 $0x1FFFFFF0, s1  }
0x5c: {  	s0 =	rddreg [dreg:$0x11];
	s1 =	sadd.s32 s3, s1  }
0x5d: {  	[hbm:s0], [sflag:s12] =	dma.local [hbm:s1], $0x10  }
0x5e: {  	(v2sf) =	vpush v0, $0x8;
	_ =	sdelay $0xe  }
0x5f: {  	s1 =	spop (v2sf)  }
0x60: {  	s1 =	sand.u32 $0x1FFFFFF0, s1  }
0x61: {  	s0 =	rddreg [dreg:$0x12];
	s1 =	sadd.s32 s3, s1  }
0x62: {  	[hbm:s0], [sflag:s12] =	dma.local [hbm:s1], $0x10  }
0x63: {  	(v2sf) =	vpush v0, $0x9;
	_ =	sdelay $0xe  }
0x64: {  	s1 =	spop (v2sf)  }
0x65: {  	s1 =	sand.u32 $0x1FFFFFF0, s1  }
0x66: {  	s0 =	rddreg [dreg:$0x13];
	s1 =	sadd.s32 s3, s1  }
0x67: {  	[hbm:s0], [sflag:s12] =	dma.local [hbm:s1], $0x10  }
0x68: {  	(v2sf) =	vpush v0, $0xA;
	_ =	sdelay $0xe  }
0x69: {  	s1 =	spop (v2sf)  }
0x6a: {  	s1 =	sand.u32 $0x1FFFFFF0, s1  }
0x6b: {  	s0 =	rddreg [dreg:$0x14];
	s1 =	sadd.s32 s3, s1  }
0x6c: {  	[hbm:s0], [sflag:s12] =	dma.local [hbm:s1], $0x10  }
0x6d: {  	(v2sf) =	vpush v0, $0xB;
	_ =	sdelay $0xe  }
0x6e: {  	s1 =	spop (v2sf)  }
0x6f: {  	s1 =	sand.u32 $0x1FFFFFF0, s1  }
0x70: {  	s0 =	rddreg [dreg:$0x15];
	s1 =	sadd.s32 s3, s1  }
0x71: {  	[hbm:s0], [sflag:s12] =	dma.local [hbm:s1], $0x10  }
0x72: {  	(v2sf) =	vpush v0, $0xC;
	_ =	sdelay $0xe  }
0x73: {  	s1 =	spop (v2sf)  }
0x74: {  	s1 =	sand.u32 $0x1FFFFFF0, s1  }
0x75: {  	s0 =	rddreg [dreg:$0x16];
	s1 =	sadd.s32 s3, s1  }
0x76: {  	[hbm:s0], [sflag:s12] =	dma.local [hbm:s1], $0x10  }
0x77: {  	(v2sf) =	vpush v0, $0xD;
	_ =	sdelay $0xe  }
0x78: {  	s1 =	spop (v2sf)  }
0x79: {  	s1 =	sand.u32 $0x1FFFFFF0, s1  }
0x7a: {  	s0 =	rddreg [dreg:$0x17];
	s1 =	sadd.s32 s3, s1  }
0x7b: {  	[hbm:s0], [sflag:s12] =	dma.local [hbm:s1], $0x10  }
0x7c: {  	(v2sf) =	vpush v0, $0xE;
	_ =	sdelay $0xe  }
0x7d: {  	s1 =	spop (v2sf)  }
0x7e: {  	s1 =	sand.u32 $0x1FFFFFF0, s1  }
0x7f: {  	s0 =	rddreg [dreg:$0x18];
	s1 =	sadd.s32 s3, s1  }
0x80: {  	[hbm:s0], [sflag:s12] =	dma.local [hbm:s1], $0x10  }
0x81: {  	(v2sf) =	vpush v0, $0xF;
	_ =	sdelay $0xe  }
0x82: {  	s1 =	spop (v2sf)  }
0x83: {  	s1 =	sand.u32 $0x1FFFFFF0, s1  }
0x84: {  	s0 =	rddreg [dreg:$0x19];
	s1 =	sadd.s32 s3, s1  }
0x85: {  	[hbm:s0], [sflag:s12] =	dma.local [hbm:s1], $0x10  }
0x86: {  	v62 =	vld [tilespmem:$0x10];
	_ =	sdelay $0x4  }
0x87: {  	v0 =	vshll.u32 v62, $0x4  }
0x88: {  	(v2sf) =	vpush v0, $0x0;
	_ =	sdelay $0xe  }
0x89: {  	s1 =	spop (v2sf)  }
0x8a: {  	s1 =	sand.u32 $0x1FFFFFF0, s1  }
0x8b: {  	s0 =	rddreg [dreg:$0x1a];
	s1 =	sadd.s32 s3, s1  }
0x8c: {  	[hbm:s0], [sflag:s12] =	dma.local [hbm:s1], $0x10  }
0x8d: {  	(v2sf) =	vpush v0, $0x1;
	_ =	sdelay $0xe  }
0x8e: {  	s1 =	spop (v2sf)  }
0x8f: {  	s1 =	sand.u32 $0x1FFFFFF0, s1  }
0x90: {  	s0 =	rddreg [dreg:$0x1b];
	s1 =	sadd.s32 s3, s1  }
0x91: {  	[hbm:s0], [sflag:s12] =	dma.local [hbm:s1], $0x10  }
0x92: {  	(v2sf) =	vpush v0, $0x2;
	_ =	sdelay $0xe  }
0x93: {  	s1 =	spop (v2sf)  }
0x94: {  	s1 =	sand.u32 $0x1FFFFFF0, s1  }
0x95: {  	s0 =	rddreg [dreg:$0x1c];
	s1 =	sadd.s32 s3, s1  }
0x96: {  	[hbm:s0], [sflag:s12] =	dma.local [hbm:s1], $0x10  }
0x97: {  	(v2sf) =	vpush v0, $0x3;
	_ =	sdelay $0xe  }
0x98: {  	s1 =	spop (v2sf)  }
0x99: {  	s1 =	sand.u32 $0x1FFFFFF0, s1  }
0x9a: {  	s0 =	rddreg [dreg:$0x1d];
	s1 =	sadd.s32 s3, s1  }
0x9b: {  	[hbm:s0], [sflag:s12] =	dma.local [hbm:s1], $0x10  }
0x9c: {  	(v2sf) =	vpush v0, $0x4;
	_ =	sdelay $0xe  }
0x9d: {  	s1 =	spop (v2sf)  }
0x9e: {  	s1 =	sand.u32 $0x1FFFFFF0, s1  }
0x9f: {  	s0 =	rddreg [dreg:$0x1f];
	s1 =	sadd.s32 s3, s1  }
0xa0: {  	[hbm:s0], [sflag:s12] =	dma.local [hbm:s1], $0x10  }
0xa1: {  	(v2sf) =	vpush v0, $0x5;
	_ =	sdelay $0xe  }
0xa2: {  	s0 =	sld [smem:$0x7F3];
	s1 =	spop (v2sf)  }
0xa3: {  	s1 =	sand.u32 $0x1FFFFFF0, s1  }
0xa4: {  	s1 =	sadd.s32 s3, s1  }
0xa5: {  	[hbm:s0], [sflag:s12] =	dma.local [hbm:s1], $0x10  }
0xa6: {  	(v2sf) =	vpush v0, $0x6;
	_ =	sdelay $0xe  }
0xa7: {  	s0 =	sld [smem:$0x7F4];
	s1 =	spop (v2sf)  }
0xa8: {  	s1 =	sand.u32 $0x1FFFFFF0, s1  }
0xa9: {  	s1 =	sadd.s32 s3, s1  }
0xaa: {  	[hbm:s0], [sflag:s12] =	dma.local [hbm:s1], $0x10  }
0xab: {  	(v2sf) =	vpush v0, $0x7;
	_ =	sdelay $0xe  }
0xac: {  	s0 =	sld [smem:$0x7F5];
	s1 =	spop (v2sf)  }
0xad: {  	s1 =	sand.u32 $0x1FFFFFF0, s1  }
0xae: {  	s1 =	sadd.s32 s3, s1  }
0xaf: {  	[hbm:s0], [sflag:s12] =	dma.local [hbm:s1], $0x10  }
0xb0: {  	(v2sf) =	vpush v0, $0x8;
	_ =	sdelay $0xe  }
0xb1: {  	s0 =	sld [smem:$0x7F6];
	s1 =	spop (v2sf)  }
0xb2: {  	s1 =	sand.u32 $0x1FFFFFF0, s1  }
0xb3: {  	s1 =	sadd.s32 s3, s1  }
0xb4: {  	[hbm:s0], [sflag:s12] =	dma.local [hbm:s1], $0x10  }
0xb5: {  	(v2sf) =	vpush v0, $0x9;
	_ =	sdelay $0xe  }
0xb6: {  	s0 =	sld [smem:$0x7F7];
	s1 =	spop (v2sf)  }
0xb7: {  	s1 =	sand.u32 $0x1FFFFFF0, s1  }
0xb8: {  	s1 =	sadd.s32 s3, s1  }
0xb9: {  	[hbm:s0], [sflag:s12] =	dma.local [hbm:s1], $0x10  }
0xba: {  	(v2sf) =	vpush v0, $0xA;
	_ =	sdelay $0xe  }
0xbb: {  	s0 =	sld [smem:$0x7F8];
	s1 =	spop (v2sf)  }
0xbc: {  	s1 =	sand.u32 $0x1FFFFFF0, s1  }
0xbd: {  	s1 =	sadd.s32 s3, s1  }
0xbe: {  	[hbm:s0], [sflag:s12] =	dma.local [hbm:s1], $0x10  }
0xbf: {  	(v2sf) =	vpush v0, $0xB;
	_ =	sdelay $0xe  }
0xc0: {  	s0 =	sld [smem:$0x7F9];
	s1 =	spop (v2sf)  }
0xc1: {  	s1 =	sand.u32 $0x1FFFFFF0, s1  }
0xc2: {  	s1 =	sadd.s32 s3, s1  }
0xc3: {  	[hbm:s0], [sflag:s12] =	dma.local [hbm:s1], $0x10  }
0xc4: {  	(v2sf) =	vpush v0, $0xC;
	_ =	sdelay $0xe  }
0xc5: {  	s0 =	sld [smem:$0x7FA];
	s1 =	spop (v2sf)  }
0xc6: {  	s1 =	sand.u32 $0x1FFFFFF0, s1  }
0xc7: {  	s1 =	sadd.s32 s3, s1  }
0xc8: {  	[hbm:s0], [sflag:s12] =	dma.local [hbm:s1], $0x10  }
0xc9: {  	(v2sf) =	vpush v0, $0xD;
	_ =	sdelay $0xe  }
0xca: {  	s0 =	sld [smem:$0x7FB];
	s1 =	spop (v2sf)  }
0xcb: {  	s1 =	sand.u32 $0x1FFFFFF0, s1  }
0xcc: {  	s1 =	sadd.s32 s3, s1  }
0xcd: {  	[hbm:s0], [sflag:s12] =	dma.local [hbm:s1], $0x10  }
0xce: {  	(v2sf) =	vpush v0, $0xE;
	_ =	sdelay $0xe  }
0xcf: {  	s0 =	sld [smem:$0x7FC];
	s1 =	spop (v2sf)  }
0xd0: {  	s1 =	sand.u32 $0x1FFFFFF0, s1  }
0xd1: {  	s1 =	sadd.s32 s3, s1  }
0xd2: {  	[hbm:s0], [sflag:s12] =	dma.local [hbm:s1], $0x10  }
0xd3: {  	(v2sf) =	vpush v0, $0xF;
	_ =	sdelay $0xe  }
0xd4: {  	s0 =	sld [smem:$0x7FD];
	s1 =	spop (v2sf)  }
0xd5: {  	s1 =	sand.u32 $0x1FFFFFF0, s1  }
0xd6: {  	s23 =	simm.s32 $0x20;
	s1 =	sadd.s32 s3, s1  }
0xd7: {  	[hbm:s0], [sflag:s12] =	dma.local [hbm:s1], $0x10  }
0xd8: {  	v63 =	vld [tilespmem:s23+$0x0];
	_ =	sdelay $0x4  }
0xd9: {  	v0 =	vshll.u32 v63, $0x4  }
0xda: {  	(v2sf) =	vpush v0, $0xD  }
0xdb: {  	(v2sf) =	vpush v0, $0xF  }
0xdc: {  	(v2sf) =	vpush v0, $0xE  }
0xdd: {  	(v2sf) =	vpush v0, $0xB  }
0xde: {  	(v2sf) =	vpush v0, $0x4  }
0xdf: {  	(v2sf) =	vpush v0, $0x2  }
0xe0: {  	(v2sf) =	vpush v0, $0x0  }
0xe1: {  	(v2sf) =	vpush v0, $0x5  }
0xe2: {  	(v2sf) =	vpush v0, $0x6  }
0xe3: {  	(v2sf) =	vpush v0, $0x3  }
0xe4: {  	(v2sf) =	vpush v0, $0x9  }
0xe5: {  	(v2sf) =	vpush v0, $0x1  }
0xe6: {  	(v2sf) =	vpush v0, $0xC  }
0xe7: {  	(v2sf) =	vpush v0, $0x8  }
0xe8: {  	(v2sf) =	vpush v0, $0x7  }
0xe9: {  	(v2sf) =	vpush v0, $0xA;
	s1 =	spop (v2sf)  }
0xea: {  	s14 =	spop (v2sf)  }
0xeb: {  	s2 =	spop (v2sf)  }
0xec: {  	s17 =	spop (v2sf)  }
0xed: {  	s18 =	spop (v2sf)  }
0xee: {  	s0 =	rddreg [dreg:$0x2];
	s19 =	spop (v2sf)  }
0xef: {  	s0 =	sadd.s32 $0x0, s0;
	s16 =	spop (v2sf)  }
0xf0: {  	s20 =	sadd.s32 $0x10, s0;
	s21 =	sadd.s32 $0x20, s0;
	s5 =	spop (v2sf)  }
0xf1: {  	s31 =	sadd.s32 $0x40, s0;
	s9 =	sadd.s32 $0x70, s0;
	s6 =	spop (v2sf)  }
0xf2: {  	s13 =	sadd.s32 $0x80, s0;
	s1 =	sand.u32 $0x1FFFFFF0, s1;
	s7 =	spop (v2sf)  }
0xf3: {  	s1 =	sadd.s32 s3, s1;
	s17 =	sand.u32 $0x1FFFFFF0, s17;
	s24 =	spop (v2sf)  }
0xf4: {  	s18 =	sand.u32 $0x1FFFFFF0, s18;
	s17 =	sadd.s32 s3, s17;
	s25 =	spop (v2sf)  }
0xf5: {  	s19 =	sand.u32 $0x1FFFFFF0, s19;
	s18 =	sadd.s32 s3, s18;
	s26 =	spop (v2sf)  }
0xf6: {  	s4 =	sand.u32 $0x1FFFFFF0, s16;
	s19 =	sadd.s32 s3, s19;
	s28 =	spop (v2sf)  }
0xf7: {  	s4 =	sadd.s32 s3, s4;
	s25 =	sand.u32 $0x1FFFFFF0, s25;
	s29 =	spop (v2sf)  }
0xf8: {  	s22 =	sand.u32 $0x1FFFFFF0, s7;
	s25 =	sadd.s32 s3, s25;
	s30 =	spop (v2sf)  }
0xf9: {  	[hbm:s0], [sflag:s12] =	dma.local [hbm:s4], $0x10  }
0xfa: {  	[hbm:s20], [sflag:s12] =	dma.local [hbm:s25], $0x10  }
0xfb: {  	[hbm:s21], [sflag:s12] =	dma.local [hbm:s19], $0x10  }
0xfc: {  	s4 =	sand.u32 $0x1FFFFFF0, s5;
	s25 =	sadd.s32 $0x30, s0;
	s19 =	sadd.s32 s3, s22  }
0xfd: {  	[hbm:s25], [sflag:s12] =	dma.local [hbm:s19], $0x10  }
0xfe: {  	[hbm:s31], [sflag:s12] =	dma.local [hbm:s18], $0x10  }
0xff: {  	s6 =	sand.u32 $0x1FFFFFF0, s6;
	s5 =	sadd.s32 $0x50, s0;
	s18 =	sadd.s32 s3, s4  }
0x100: {  	[hbm:s5], [sflag:s12] =	dma.local [hbm:s18], $0x10  }
0x101: {  	s7 =	sadd.s32 $0x60, s0;
	s8 =	sand.u32 $0x1FFFFFF0, s29;
	s18 =	sadd.s32 s3, s6  }
0x102: {  	[hbm:s7], [sflag:s12] =	dma.local [hbm:s18], $0x10  }
0x103: {  	s16 =	sadd.s32 $0x90, s0;
	s11 =	sand.u32 $0x1FFFFFF0, s28;
	s18 =	sadd.s32 s3, s8  }
0x104: {  	[hbm:s9], [sflag:s12] =	dma.local [hbm:s18], $0x10  }
0x105: {  	s15 =	sand.u32 $0x1FFFFFF0, s24;
	s24 =	sand.u32 $0x1FFFFFF0, s26;
	s18 =	sadd.s32 s3, s11  }
0x106: {  	[hbm:s13], [sflag:s12] =	dma.local [hbm:s18], $0x10  }
0x107: {  	s26 =	sadd.s32 $0xD0, s0;
	s20 =	sand.u32 $0x1FFFFFF0, s30;
	s18 =	sadd.s32 s3, s15  }
0x108: {  	[hbm:s16], [sflag:s12] =	dma.local [hbm:s18], $0x10  }
0x109: {  	s21 =	sadd.s32 $0xA0, s0;
	s22 =	sadd.s32 $0xB0, s0;
	s18 =	sadd.s32 s3, s20  }
0x10a: {  	[hbm:s21], [sflag:s12] =	dma.local [hbm:s18], $0x10  }
0x10b: {  	[hbm:s22], [sflag:s12] =	dma.local [hbm:s17], $0x10  }
0x10c: {  	s28 =	sand.u32 $0x1FFFFFF0, s2;
	s25 =	sadd.s32 $0xC0, s0;
	s17 =	sadd.s32 s3, s24  }
0x10d: {  	[hbm:s25], [sflag:s12] =	dma.local [hbm:s17], $0x10  }
0x10e: {  	[hbm:s26], [sflag:s12] =	dma.local [hbm:s1], $0x10  }
0x10f: {  	s29 =	sadd.s32 $0xE0, s0;
	s30 =	sand.u32 $0x1FFFFFF0, s14;
	s1 =	sadd.s32 s3, s28  }
0x110: {  	[hbm:s29], [sflag:s12] =	dma.local [hbm:s1], $0x10  }
0x111: {  	s31 =	sadd.s32 $0xF0, s0;
	s1 =	sadd.s32 s3, s30  }
0x112: {  	[hbm:s31], [sflag:s12] =	dma.local [hbm:s1], $0x10  }
0x113: {  	_ =	swait.ge [sflag:s10], $0x10  }
0x114: {  	[sflag:s10] =	ssyncset.done $0x0  }
0x115: {  	[sflag:s10] =	ssyncadd.s32 $0xFFFFFFF0  }
0x116: {  	_ =	swait.ge [sflag:s10], $0x10  }
0x117: {  	s14 =	simm.s32 $0x100;
	[sflag:s10] =	ssyncset.done $0x0  }
.LBB2_2:
0x118: {  	[sflag:s10] =	ssyncadd.s32 $0xFFFFFFF0  }
0x119: {  	_ =	swait.ge [sflag:s10], $0x10  }
0x11a: {  	[sflag:s10] =	ssyncset.done $0x0  }
0x11b: {  	[sflag:s10] =	ssyncadd.s32 $0xFFFFFFF0  }
0x11c: {  	_ =	swait.ge [sflag:s10], $0x10  }
0x11d: {  	[sflag:s10] =	ssyncset.done $0x0  }
0x11e: {  	[sflag:s10] =	ssyncadd.s32 $0xFFFFFFF0  }
0x11f: {  	_ =	swait.ge [sflag:s10], $0x10  }
0x120: {  	[sflag:s10] =	ssyncset.done $0x0  }
0x121: {  	[sflag:s10] =	ssyncadd.s32 $0xFFFFFFF0  }
0x122: {  	_ =	swait.ge [sflag:s10], $0x10  }
0x123: {  	[sflag:s10] =	ssyncset.done $0x0  }
0x124: {  	[sflag:s10] =	ssyncadd.s32 $0xFFFFFFF0  }
0x125: {  	_ =	swait.ge [sflag:s10], $0x10  }
0x126: {  	[sflag:s10] =	ssyncset.done $0x0  }
0x127: {  	[sflag:s10] =	ssyncadd.s32 $0xFFFFFFF0  }
0x128: {  	_ =	swait.ge [sflag:s10], $0x10  }
0x129: {  	[sflag:s10] =	ssyncset.done $0x0  }
0x12a: {  	[sflag:s10] =	ssyncadd.s32 $0xFFFFFFF0  }
0x12b: {  	_ =	swait.ge [sflag:s10], $0x10  }
0x12c: {  	[sflag:s10] =	ssyncset.done $0x0  }
0x12d: {  	[sflag:s10] =	ssyncadd.s32 $0xFFFFFFF0  }
0x12e: {  	_ =	swait.ge [sflag:s10], $0x10  }
0x12f: {  	[sflag:s10] =	ssyncset.done $0x0  }
0x130: {  	[sflag:s10] =	ssyncadd.s32 $0xFFFFFFF0  }
0x131: {  	_ =	swait.ge [sflag:s10], $0x10  }
0x132: {  	[sflag:s10] =	ssyncset.done $0x0  }
0x133: {  	[sflag:s10] =	ssyncadd.s32 $0xFFFFFFF0  }
0x134: {  	_ =	swait.ge [sflag:s10], $0x10  }
0x135: {  	[sflag:s10] =	ssyncset.done $0x0  }
0x136: {  	[sflag:s10] =	ssyncadd.s32 $0xFFFFFFF0  }
0x137: {  	_ =	swait.ge [sflag:s10], $0x10  }
0x138: {  	[sflag:s10] =	ssyncset.done $0x0  }
0x139: {  	[sflag:s10] =	ssyncadd.s32 $0xFFFFFFF0  }
0x13a: {  	_ =	swait.ge [sflag:s10], $0x10  }
0x13b: {  	[sflag:s10] =	ssyncset.done $0x0  }
0x13c: {  	[sflag:s10] =	ssyncadd.s32 $0xFFFFFFF0  }
0x13d: {  	_ =	swait.ge [sflag:s10], $0x10  }
0x13e: {  	[sflag:s10] =	ssyncset.done $0x0  }
0x13f: {  	[sflag:s10] =	ssyncadd.s32 $0xFFFFFFF0  }
0x140: {  	_ =	swait.ge [sflag:s10], $0x10  }
0x141: {  	[sflag:s10] =	ssyncset.done $0x0  }
0x142: {  	s23 =	sadd.s32 $0x10, s23;
	[sflag:s10] =	ssyncadd.s32 $0xFFFFFFF0  }
0x143: {  	v0 =	vld [tilespmem:s23+$0x0];
	_ =	sdelay $0x4  }
0x144: {  	v0 =	vshll.u32 v0, $0x4  }
0x145: {  	(v2sf) =	vpush v0, $0xD  }
0x146: {  	(v2sf) =	vpush v0, $0xF  }
0x147: {  	(v2sf) =	vpush v0, $0xE  }
0x148: {  	(v2sf) =	vpush v0, $0xB  }
0x149: {  	(v2sf) =	vpush v0, $0x4  }
0x14a: {  	(v2sf) =	vpush v0, $0x2  }
0x14b: {  	(v2sf) =	vpush v0, $0x0  }
0x14c: {  	(v2sf) =	vpush v0, $0x5  }
0x14d: {  	(v2sf) =	vpush v0, $0x6  }
0x14e: {  	(v2sf) =	vpush v0, $0x3  }
0x14f: {  	s0 =	smov.u32 s14;
	s1 =	rddreg [dreg:$0x2];
	(v2sf) =	vpush v0, $0x9  }
0x150: {  	p0 =	sne.s32 s14, $0x3D00;
	s19 =	sadd.s32 s0, s1;
	(v2sf) =	vpush v0, $0x1  }
0x151: {  	s0 =	sadd.s32 $0x10, s19;
	s6 =	sadd.s32 $0xB0, s19;
	s7 =	sadd.s32 $0x50, s19;
	(v2sf) =	vpush v0, $0xC  }
0x152: {  	s8 =	sadd.s32 $0xC0, s19;
	s9 =	sadd.s32 $0x30, s19;
	s11 =	sadd.s32 $0x80, s19;
	(v2sf) =	vpush v0, $0x8  }
0x153: {  	s18 =	sadd.s32 $0x60, s19;
	s25 =	sadd.s32 $0x20, s19;
	[dreg:$0x7] =	wrdreg s0;
	(v2sf) =	vpush v0, $0x7  }
0x154: {  	s24 =	sadd.s32 $0x40, s19;
	[dreg:$0x3] =	wrdreg s6;
	(v2sf) =	vpush v0, $0xA;
	s13 =	spop (v2sf)  }
0x155: {  	s17 =	sadd.s32 $0xF0, s19;
	[dreg:$0x6] =	wrdreg s7;
	s15 =	spop (v2sf)  }
0x156: {  	s26 =	sadd.s32 $0xA0, s19;
	[dreg:$0x4] =	wrdreg s8;
	s28 =	spop (v2sf)  }
0x157: {  	s29 =	sadd.s32 $0x90, s19;
	[dreg:$0x8] =	wrdreg s9;
	s20 =	spop (v2sf)  }
0x158: {  	s31 =	sadd.s32 $0x70, s19;
	[dreg:$0x5] =	wrdreg s11;
	s21 =	spop (v2sf)  }
0x159: {  	s2 =	sand.u32 $0x1FFFFFF0, s13;
	s1 =	sand.u32 $0x1FFFFFF0, s15;
	s22 =	spop (v2sf)  }
0x15a: {  	s2 =	sadd.s32 s3, s2;
	s16 =	sand.u32 $0x1FFFFFF0, s28;
	s30 =	spop (v2sf)  }
0x15b: {  	s28 =	sadd.s32 $0xE0, s19;
	s1 =	sadd.s32 s3, s1;
	s9 =	spop (v2sf)  }
0x15c: {  	s5 =	sand.u32 $0x1FFFFFF0, s20;
	s0 =	sadd.s32 s3, s16;
	s4 =	spop (v2sf)  }
0x15d: {  	s6 =	sand.u32 $0x1FFFFFF0, s21;
	s7 =	sand.u32 $0x1FFFFFF0, s22;
	s11 =	spop (v2sf)  }
0x15e: {  	s6 =	sadd.s32 s3, s6;
	s8 =	sand.u32 $0x1FFFFFF0, s30;
	s13 =	spop (v2sf)  }
0x15f: {  	s7 =	sadd.s32 s3, s7;
	s8 =	sadd.s32 s3, s8;
	s16 =	spop (v2sf)  }
0x160: {  	s9 =	sand.u32 $0x1FFFFFF0, s9;
	s4 =	sand.u32 $0x1FFFFFF0, s4;
	s15 =	spop (v2sf)  }
0x161: {  	s9 =	sadd.s32 s3, s9;
	s11 =	sand.u32 $0x1FFFFFF0, s11;
	s20 =	spop (v2sf)  }
0x162: {  	s4 =	sadd.s32 s3, s4;
	s13 =	sand.u32 $0x1FFFFFF0, s13;
	s21 =	spop (v2sf)  }
0x163: {  	s11 =	sadd.s32 s3, s11;
	s16 =	sand.u32 $0x1FFFFFF0, s16;
	s22 =	spop (v2sf)  }
0x164: {  	[hbm:s19], [sflag:s12] =	dma.local [hbm:s8], $0x10  }
0x165: {  	s13 =	sadd.s32 s3, s13;
	s16 =	sadd.s32 s3, s16;
	s8 =	rddreg [dreg:$0x7]  }
0x166: {  	[hbm:s8], [sflag:s12] =	dma.local [hbm:s16], $0x10  }
0x167: {  	[hbm:s25], [sflag:s12] =	dma.local [hbm:s7], $0x10  }
0x168: {  	s20 =	sand.u32 $0x1FFFFFF0, s20;
	s21 =	sand.u32 $0x1FFFFFF0, s21;
	s7 =	rddreg [dreg:$0x8]  }
0x169: {  	[hbm:s7], [sflag:s12] =	dma.local [hbm:s11], $0x10  }
0x16a: {  	[hbm:s24], [sflag:s12] =	dma.local [hbm:s6], $0x10  }
0x16b: {  	s21 =	sadd.s32 s3, s21;
	s22 =	sand.u32 $0x1FFFFFF0, s22;
	s6 =	rddreg [dreg:$0x6]  }
0x16c: {  	[hbm:s6], [sflag:s12] =	dma.local [hbm:s9], $0x10  }
0x16d: {  	[hbm:s18], [sflag:s12] =	dma.local [hbm:s4], $0x10  }
0x16e: {  	[hbm:s31], [sflag:s12] =	dma.local [hbm:s21], $0x10  }
0x16f: {  	s20 =	sadd.s32 s3, s20;
	s22 =	sadd.s32 s3, s22;
	s25 =	rddreg [dreg:$0x5]  }
0x170: {  	[hbm:s25], [sflag:s12] =	dma.local [hbm:s20], $0x10  }
0x171: {  	[hbm:s29], [sflag:s12] =	dma.local [hbm:s13], $0x10  }
0x172: {  	[hbm:s26], [sflag:s12] =	dma.local [hbm:s22], $0x10  }
0x173: {  	s5 =	sadd.s32 s3, s5;
	s15 =	sand.u32 $0x1FFFFFF0, s15;
	s31 =	rddreg [dreg:$0x3]  }
0x174: {  	[hbm:s31], [sflag:s12] =	dma.local [hbm:s5], $0x10  }
0x175: {  	s30 =	sadd.s32 $0xD0, s19;
	s15 =	sadd.s32 s3, s15;
	s4 =	rddreg [dreg:$0x4]  }
0x176: {  	[hbm:s4], [sflag:s12] =	dma.local [hbm:s15], $0x10  }
0x177: {  	[hbm:s30], [sflag:s12] =	dma.local [hbm:s2], $0x10  }
0x178: {  	[hbm:s28], [sflag:s12] =	dma.local [hbm:s0], $0x10  }
0x179: {  	[hbm:s17], [sflag:s12] =	dma.local [hbm:s1], $0x10  }
.Ltmp0:
0x17a: {  	_ =	swait.ge [sflag:s10], $0x10;
	(pc) =	sbr.rel @p0 .LBB2_2-.Ltmp0, $4  }
0x17b: {  	[sflag:s10] =	ssyncset.done $0x0  }
0x17c: {  	[sflag:s10] =	ssyncadd.s32 $0xFFFFFFF0  }
0x17d: {  	_ =	swait.ge [sflag:s10], $0x10  }
0x17e: {  	s14 =	sadd.s32 $0x100, s14;
	[sflag:s10] =	ssyncset.done $0x0  }
0x17f: {  	[sflag:s10] =	ssyncadd.s32 $0xFFFFFFF0  }
0x180: {  	_ =	swait.ge [sflag:s10], $0x10  }
0x181: {  	[sflag:s10] =	ssyncset.done $0x0  }
0x182: {  	[sflag:s10] =	ssyncadd.s32 $0xFFFFFFF0  }
0x183: {  	_ =	swait.ge [sflag:s10], $0x10  }
0x184: {  	[sflag:s10] =	ssyncset.done $0x0  }
0x185: {  	[sflag:s10] =	ssyncadd.s32 $0xFFFFFFF0  }
0x186: {  	_ =	swait.ge [sflag:s10], $0x10  }
0x187: {  	[sflag:s10] =	ssyncset.done $0x0  }
0x188: {  	[sflag:s10] =	ssyncadd.s32 $0xFFFFFFF0  }
0x189: {  	_ =	swait.ge [sflag:s10], $0x10  }
0x18a: {  	[sflag:s10] =	ssyncset.done $0x0  }
0x18b: {  	[sflag:s10] =	ssyncadd.s32 $0xFFFFFFF0  }
0x18c: {  	_ =	swait.ge [sflag:s10], $0x10  }
0x18d: {  	[sflag:s10] =	ssyncset.done $0x0  }
0x18e: {  	[sflag:s10] =	ssyncadd.s32 $0xFFFFFFF0  }
0x18f: {  	_ =	swait.ge [sflag:s10], $0x10  }
0x190: {  	[sflag:s10] =	ssyncset.done $0x0  }
0x191: {  	[sflag:s10] =	ssyncadd.s32 $0xFFFFFFF0  }
0x192: {  	_ =	swait.ge [sflag:s10], $0x10  }
0x193: {  	[sflag:s10] =	ssyncset.done $0x0  }
0x194: {  	[sflag:s10] =	ssyncadd.s32 $0xFFFFFFF0  }
0x195: {  	_ =	swait.ge [sflag:s10], $0x10  }
0x196: {  	[sflag:s10] =	ssyncset.done $0x0  }
0x197: {  	[sflag:s10] =	ssyncadd.s32 $0xFFFFFFF0  }
0x198: {  	_ =	swait.ge [sflag:s10], $0x10  }
0x199: {  	[sflag:s10] =	ssyncset.done $0x0  }
0x19a: {  	[sflag:s10] =	ssyncadd.s32 $0xFFFFFFF0  }
0x19b: {  	_ =	swait.ge [sflag:s10], $0x10  }
0x19c: {  	[sflag:s10] =	ssyncset.done $0x0  }
0x19d: {  	[sflag:s10] =	ssyncadd.s32 $0xFFFFFFF0  }
0x19e: {  	_ =	swait.ge [sflag:s10], $0x10  }
0x19f: {  	[sflag:s10] =	ssyncset.done $0x0  }
0x1a0: {  	[sflag:s10] =	ssyncadd.s32 $0xFFFFFFF0  }
0x1a1: {  	_ =	swait.ge [sflag:s10], $0x10  }
0x1a2: {  	[sflag:s10] =	ssyncset.done $0x0  }
0x1a3: {  	[sflag:s10] =	ssyncadd.s32 $0xFFFFFFF0  }
0x1a4: {  	_ =	swait.ge [sflag:s10], $0x10  }
0x1a5: {  	[sflag:s10] =	ssyncset.done $0x0  }
0x1a6: {  	[sflag:s10] =	ssyncadd.s32 $0xFFFFFFF0  }
0x1a7: {  	_ =	swait.ge [sflag:s10], $0x10  }
0x1a8: {  	[sflag:s10] =	ssyncset.done $0x0  }
0x1a9: {  	[sflag:s10] =	ssyncadd.s32 $0xFFFFFFF0  }
0x1aa: {  	_ =	swait.ge [sflag:s10], $0x10  }
0x1ab: {  	[sflag:s10] =	ssyncset.done $0x0  }
0x1ac: {  	[sflag:s10] =	ssyncadd.s32 $0xFFFFFFF0  }
0x1ad: {  	_ =	swait.ge [sflag:s10], $0x10  }
0x1ae: {  	[sflag:s10] =	ssyncset.done $0x0  }
0x1af: {  	[sflag:s10] =	ssyncadd.s32 $0xFFFFFFF0  }
0x1b0: {  	_ =	swait.ge [sflag:s10], $0x10  }
0x1b1: {  	[sflag:s10] =	ssyncset.done $0x0  }
0x1b2: {  	[sflag:s10] =	ssyncadd.s32 $0xFFFFFFF0  }
0x1b3: {  	_ =	swait.ge [sflag:s10], $0x10  }
0x1b4: {  	[sflag:s10] =	ssyncset.done $0x0  }
0x1b5: {  	[sflag:s10] =	ssyncadd.s32 $0xFFFFFFF0  }
0x1b6: {  	_ =	swait.ge [sflag:s10], $0x10  }
0x1b7: {  	[sflag:s10] =	ssyncset.done $0x0  }
0x1b8: {  	[sflag:s10] =	ssyncadd.s32 $0xFFFFFFF0  }
0x1b9: {  	_ =	swait.ge [sflag:s10], $0x10  }
0x1ba: {  	[sflag:s10] =	ssyncset.done $0x0  }
0x1bb: {  	[sflag:s10] =	ssyncadd.s32 $0xFFFFFFF0  }
0x1bc: {  	_ =	swait.ge [sflag:s10], $0x10  }
0x1bd: {  	[sflag:s10] =	ssyncset.done $0x0  }
0x1be: {  	[sflag:s10] =	ssyncadd.s32 $0xFFFFFFF0  }
0x1bf: {  	_ =	swait.ge [sflag:s10], $0x10  }
0x1c0: {  	[sflag:s10] =	ssyncset.done $0x0  }
0x1c1: {  	[sflag:s10] =	ssyncadd.s32 $0xFFFFFFF0  }
0x1c2: {  	_ =	swait.ge [sflag:s10], $0x10  }
0x1c3: {  	[sflag:s10] =	ssyncset.done $0x0  }
0x1c4: {  	[sflag:s10] =	ssyncadd.s32 $0xFFFFFFF0  }
0x1c5: {  	_ =	swait.ge [sflag:s10], $0x10  }
0x1c6: {  	[sflag:s10] =	ssyncset.done $0x0  }
0x1c7: {  	[sflag:s10] =	ssyncadd.s32 $0xFFFFFFF0  }
0x1c8: {  	_ =	swait.ge [sflag:s10], $0x10  }
0x1c9: {  	[sflag:s10] =	ssyncset.done $0x0  }
0x1ca: {  	[sflag:s10] =	ssyncadd.s32 $0xFFFFFFF0  }
0x1cb: {  	_ =	swait.ge [sflag:s10], $0x10  }
0x1cc: {  	[sflag:s10] =	ssyncset.done $0x0  }
0x1cd: {  	[sflag:s10] =	ssyncadd.s32 $0xFFFFFFF0  }
0x1ce: {  	_ =	swait.ge [sflag:s10], $0x10  }
0x1cf: {  	[sflag:s10] =	ssyncset.done $0x0  }
0x1d0: {  	[sflag:s10] =	ssyncadd.s32 $0xFFFFFFF0  }
0x1d1: {  	_ =	swait.ge [sflag:s10], $0x10  }
0x1d2: {  	[sflag:s10] =	ssyncset.done $0x0  }
0x1d3: {  	[sflag:s10] =	ssyncadd.s32 $0xFFFFFFF0  }
0x1d4: {  	_ =	swait.ge [sflag:s10], $0x10  }
0x1d5: {  	[sflag:s10] =	ssyncset.done $0x0  }
0x1d6: {  	[sflag:s10] =	ssyncadd.s32 $0xFFFFFFF0  }
0x1d7: {  	_ =	swait.ge [sflag:s10], $0x10  }
0x1d8: {  	[sflag:s10] =	ssyncset.done $0x0  }
0x1d9: {  	[sflag:s10] =	ssyncadd.s32 $0xFFFFFFF0  }
0x1da: {  	_ =	swait.ge [sflag:s10], $0x10  }
0x1db: {  	[sflag:s10] =	ssyncset.done $0x0  }
0x1dc: {  	[sflag:s10] =	ssyncadd.s32 $0xFFFFFFF0  }
0x1dd: {  	_ =	swait.ge [sflag:s10], $0x10  }
0x1de: {  	[sflag:s10] =	ssyncset.done $0x0  }
0x1df: {  	[sflag:s10] =	ssyncadd.s32 $0xFFFFFFF0  }
0x1e0: {  	_ =	swait.ge [sflag:s10], $0x10  }
0x1e1: {  	[sflag:s10] =	ssyncset.done $0x0  }
0x1e2: {  	[sflag:s10] =	ssyncadd.s32 $0xFFFFFFF0  }
0x1e3: {  	_ =	swait.ge [sflag:s10], $0x10  }
0x1e4: {  	[sflag:s10] =	ssyncset.done $0x0  }
0x1e5: {  	[sflag:s10] =	ssyncadd.s32 $0xFFFFFFF0  }
0x1e6: {  	_ =	swait.ge [sflag:s10], $0x10  }
0x1e7: {  	[sflag:s10] =	ssyncset.done $0x0  }
0x1e8: {  	[sflag:s10] =	ssyncadd.s32 $0xFFFFFFF0  }
0x1e9: {  	_ =	swait.ge [sflag:s10], $0x10  }
0x1ea: {  	[sflag:s10] =	ssyncset.done $0x0  }
0x1eb: {  	[sflag:s10] =	ssyncadd.s32 $0xFFFFFFF0  }
0x1ec: {  	_ =	swait.ge [sflag:s10], $0x10  }
0x1ed: {  	[sflag:s10] =	ssyncset.done $0x0  }
0x1ee: {  	[sflag:s10] =	ssyncadd.s32 $0xFFFFFFF0  }
0x1ef: {  	_ =	swait.ge [sflag:s10], $0x10  }
0x1f0: {  	[sflag:s10] =	ssyncset.done $0x0  }
0x1f1: {  	[sflag:s10] =	ssyncadd.s32 $0xFFFFFFF0  }
0x1f2: {  	_ =	swait.ge [sflag:s10], $0x10  }
0x1f3: {  	[sflag:s10] =	ssyncset.done $0x0  }
0x1f4: {  	[sflag:s10] =	ssyncadd.s32 $0xFFFFFFF0  }
0x1f5: {  	_ =	swait.ge [sflag:s10], $0x10  }
0x1f6: {  	[sflag:s10] =	ssyncset.done $0x0  }
0x1f7: {  	[sflag:s10] =	ssyncadd.s32 $0xFFFFFFF0  }
0x1f8: {  	_ =	swait.ge [sflag:s10], $0x10  }
0x1f9: {  	[sflag:s10] =	ssyncset.done $0x0  }
0x1fa: {  	[sflag:s10] =	ssyncadd.s32 $0xFFFFFFF0  }
0x1fb: {  	_ =	swait.ge [sflag:s10], $0x10  }
0x1fc: {  	[sflag:s10] =	ssyncset.done $0x0  }
0x1fd: {  	[sflag:s10] =	ssyncadd.s32 $0xFFFFFFF0  }
0x1fe: {  	_ =	swait.ge [sflag:s10], $0x10  }
0x1ff: {  	[sflag:s10] =	ssyncset.done $0x0  }
0x200: {  	[sflag:s10] =	ssyncadd.s32 $0xFFFFFFF0  }
0x201: {  	_ =	swait.ge [sflag:s10], $0x10  }
0x202: {  	[sflag:s10] =	ssyncset.done $0x0  }
0x203: {  	[sflag:s10] =	ssyncadd.s32 $0xFFFFFFF0  }
0x204: {  	_ =	swait.ge [sflag:s10], $0x10  }
0x205: {  	[sflag:s10] =	ssyncset.done $0x0  }
0x206: {  	[sflag:s10] =	ssyncadd.s32 $0xFFFFFFF0  }
0x207: {  	_ =	swait.ge [sflag:s10], $0x10  }
0x208: {  	s1 =	sld [smem:$0x7F2];
	_ =	sdelay $0x2  }
0x209: {  	s0 =	rddreg [dreg:$0x1e];
	s1 =	sadd.s32 $0x1, s1  }
0x20a: {  	p0 =	sne.s32 s1, s0  }
.Ltmp1:
0x20b: {  	_ = 	snop;
	(pc) =	sbr.rel @p0 .LBB2_1-.Ltmp1, $3  }
0x20c: {  	_ =	sdelay $0x1  }
0x20d: {  	[sflag:s10] =	ssyncset.done $0x0  }
0x20e: {  	[sflag:s10] =	ssyncadd.s32 $0xFFFFFFF0  }
0x20f: {  	_ =	sfence.sel $0x180000  }
0x210: {  	[bflag:$0x0] =	sbarrier.arrive $0xFFFF  }
0x211: {  	_ =	strace $0x90000047  }
0x212: {  	s0 =	stileid.u32;
	[bflag:$0x2] =	sbarrier.arrive $0xFFFF  }
0x213: {  	p0 =	sne.s32 s0, $0x0;
	s0 =	rddreg [dreg:$0x1]  }
0x214: {  	s0 =	sadd.s32 @!p0 $0x100000, s0  }
0x215: {  	[sflag:s0] =	ssyncadd.tile.s32 @!p0 $0x1;
	_ =	shalt  }
.Lfunc_end2:
_tile_overlayer_lowered:
.L_overlay_start_2:
0x216: {  	(tag) =	ssettag $0x2  }
0x217: {  	s0 =	rddreg [dreg:$0x0];
	s2 =	stileid.u32  }
0x218: {  	s1 =	rddreg [dreg:$0x1];
	p0 =	sne.s32 s2, $0x0  }
0x219: {  	s3 =	rddreg [dreg:$0x2];
	[bflag:$0x3] =	sbarrier.arrive $0xFFFF;
	s2 =	simm.s32 @!p0 $0x1C02  }
0x21a: {  	[timem:s3], [sflag:s2] =	dma.local @!p0 [hbm:s0], s1  }
0x21b: {  	s0 =	simm.s32 @!p0 $0x2  }
0x21c: {  	_ =	swait.ge @!p0 [sflag:s0], s1  }
0x21d: {  	s1 =	ssub.s32 @!p0 $0x0, s1;
	[sflag:s0] =	ssyncset.done @!p0 $0x0  }
0x21e: {  	[sflag:s0] =	ssyncadd.s32 @!p0 s1  }
0x21f: {  	[bflag:$0x3] =	sbarrier.arrive $0xFFFF  }
0x220: {  	_ =	shalt  }

</sc_bundles>
